<compile_context>
chip_gen: v7x
topology: tpu7x:2x2x1
jax: 0.10.2.dev20260603
libtpu: 0.0.44.dev20260713+nightly
codegen_flags: <defaults>
</compile_context>

<pallas_src>
import jax
import jax.numpy as jnp
from jax.experimental import pallas as pl


def _edge_diff(new_e, old_e, N):
    pn = jnp.zeros((N, N), jnp.bool_).at[new_e[0], new_e[1]].set(True)
    po = jnp.zeros((N, N), jnp.bool_).at[old_e[0], old_e[1]].set(True)
    return (pn ^ po).astype(jnp.float32)


def _indirect_counts(Ap, An, M):
    pos = jnp.zeros((M, M), jnp.bool_).at[Ap[0], Ap[1]].set(True)
    neg = jnp.zeros((M, M), jnp.bool_).at[An[0], An[1]].set(True)
    eye = jnp.eye(M, dtype=jnp.bool_)
    A1 = jnp.where(eye, 0.0, pos.astype(jnp.float32))
    A2 = jnp.where(eye, 0.0, (neg & ~pos).astype(jnp.float32))
    n_pos = jnp.rint(A1 @ A1 + A2 @ A2)
    n_neg = jnp.rint(A1 @ A2 + A2 @ A1)
    upper = jnp.triu(jnp.ones((M, M), jnp.bool_), 1)
    n_pos = jnp.where(upper & ~pos, n_pos, 0.0)
    n_neg = jnp.where(upper & ~neg, n_neg, 0.0)
    return n_pos, n_neg


def _gcn_init(x, src, dst, W, b):
    N = x.shape[0]
    loop = jnp.arange(N, dtype=jnp.int32)
    s = jnp.concatenate([src.astype(jnp.int32), loop])
    d = jnp.concatenate([dst.astype(jnp.int32), loop])
    deg = jnp.zeros((N,), jnp.float32).at[d].add(1.0)
    dinv = jnp.where(deg > 0, deg ** -0.5, 0.0)
    norm = dinv[s] * dinv[d]
    h = x @ W
    out = jnp.zeros((N, W.shape[1]), jnp.float32).at[d].add(norm[:, None] * h[s])
    return out + b


def _mp_step_kernel(CT_ref, hk_ref, hi_ref, dinv_ref, b_ref, tf_ref, out_ref):
    k = pl.program_id(1)
    nk = pl.num_programs(1)
    part = jnp.dot(CT_ref[...], hk_ref[...], preferred_element_type=jnp.float32)

    @pl.when(k == 0)
    def _():
        out_ref[...] = part

    @pl.when(k != 0)
    def _():
        out_ref[...] = out_ref[...] + part

    @pl.when(k == nk - 1)
    def _():
        acc = out_ref[...] + hi_ref[...]
        y = dinv_ref[...] * acc + b_ref[...]
        out_ref[...] = jnp.maximum(y, 0.0) * tf_ref[...]


def _mp_step(CT_pad, h, dinv_pad, b2, tf):
    PN = CT_pad.shape[0]
    H = h.shape[1]
    BI, BK = 1024, 2048
    return pl.pallas_call(
        _mp_step_kernel,
        grid=(PN // BI, PN // BK),
        in_specs=[
            pl.BlockSpec((BI, BK), lambda i, k: (i, k)),
            pl.BlockSpec((BK, H), lambda i, k: (k, 0)),
            pl.BlockSpec((BI, H), lambda i, k: (i, 0)),
            pl.BlockSpec((BI, 1), lambda i, k: (i, 0)),
            pl.BlockSpec((1, H), lambda i, k: (0, 0)),
            pl.BlockSpec((1, H), lambda i, k: (0, 0)),
        ],
        out_specs=pl.BlockSpec((BI, H), lambda i, k: (i, 0)),
        out_shape=jax.ShapeDtypeStruct((PN, H), jnp.float32),
    )(CT_pad, h, h, dinv_pad, b2, tf)


def _rk4_pallas(x0, C, Wt, W, b):
    N = C.shape[0]
    PN = ((N + 1023) // 1024) * 1024
    CT_pad = jnp.zeros((PN, PN), jnp.float32).at[:N, :N].set(C.T)
    deg = C.sum(axis=0) + 1.0
    dinv = jnp.where(deg > 0, deg ** -0.5, 0.0)
    dinv_pad = jnp.zeros((PN, 1), jnp.float32).at[:N, 0].set(dinv)
    b2 = b.reshape(1, -1)

    def f(t, x):
        tf = jax.nn.sigmoid(jnp.full((1, 1), t, jnp.float32) @ Wt.T)
        h = dinv_pad * (x @ W)
        return _mp_step(CT_pad, h, dinv_pad, b2, tf)

    x = jnp.zeros((PN, x0.shape[1]), jnp.float32).at[:N].set(x0)
    h = 0.1
    t = 0.0
    for _ in range(10):
        k1 = f(t, x)
        k2 = f(t + h / 2, x + h / 2 * k1)
        k3 = f(t + h / 2, x + h / 2 * k2)
        k4 = f(t + h, x + h * k3)
        x = x + (h / 6.0) * (k1 + 2 * k2 + 2 * k3 + k4)
        t += h
    return x[:N]


def kernel(H_t, A_pos_t, A_pos_tp1, A_neg_t, A_neg_tp1, W_init, b_init, Wt_pos, W_pos, b_pos, Wt_neg, W_neg, b_neg, W_comb, b_comb, gamma, beta):
    N = H_t.shape[0]
    M = 2048
    e0 = jnp.concatenate([A_pos_t, A_neg_t], axis=1)
    H1 = jax.nn.relu(_gcn_init(H_t, e0[0], e0[1], W_init, b_init))

    d_pos = _edge_diff(A_pos_tp1, A_pos_t, N)
    d_neg = _edge_diff(A_neg_tp1, A_neg_t, N)
    n_pos, n_neg = _indirect_counts(A_pos_tp1, A_neg_tp1, M)
    C_pos = d_pos.at[:M, :M].add(n_pos)
    C_neg = d_neg.at[:M, :M].add(n_neg)

    z_pos = jnp.where(C_pos.sum() > 0, _rk4_pallas(H1, C_pos, Wt_pos, W_pos, b_pos), jnp.zeros_like(H1))
    z_neg = jnp.where(C_neg.sum() > 0, _rk4_pallas(H1, C_neg, Wt_neg, W_neg, b_neg), jnp.zeros_like(H1))

    z = jnp.concatenate([z_pos, z_neg], axis=-1) @ W_comb + b_comb
    mu = z.mean(-1, keepdims=True)
    var = ((z - mu) ** 2).mean(-1, keepdims=True)
    return (z - mu) / jnp.sqrt(var + 1e-5) * gamma + beta

# --- scband reference (transcript-rebuilt; emitter-appended) ---
"""Pipeline reference for scband-dynami-se-57183194579704 (READ-ONLY COPY).

The authoritative reference and input builder live on the scoring server;
editing this copy changes nothing except your own understanding.
"""

import jax, jax.numpy as jnp
import numpy as np


def _edge_diff(new_e, old_e, N):
    pn = jnp.zeros((N, N), jnp.bool_).at[new_e[0], new_e[1]].set(True)
    po = jnp.zeros((N, N), jnp.bool_).at[old_e[0], old_e[1]].set(True)
    return (pn ^ po).astype(jnp.float32)


def _find_indirect(Ap, An, M, N):
    pos = jnp.zeros((M, M), jnp.bool_).at[Ap[0], Ap[1]].set(True)
    neg = jnp.zeros((M, M), jnp.bool_).at[An[0], An[1]].set(True)
    # sign +1 where pos edge exists (pos checked first in original), -1 where only neg
    eye = jnp.eye(M, dtype=jnp.bool_)
    A1 = jnp.where(eye, 0.0, pos.astype(jnp.float32))  # exclude b == a or b == c (triples are distinct)
    A2 = jnp.where(eye, 0.0, (neg & ~pos).astype(jnp.float32))
    n_pos = jnp.rint(A1 @ A1 + A2 @ A2)
    n_neg = jnp.rint(A1 @ A2 + A2 @ A1)
    upper = jnp.triu(jnp.ones((M, M), jnp.bool_), 1)  # resulting (a, c) always has a < c
    n_pos = jnp.where(upper & ~pos, n_pos, 0.0)
    n_neg = jnp.where(upper & ~neg, n_neg, 0.0)
    zp = jnp.zeros((N, N), jnp.float32).at[:M, :M].set(n_pos)
    zn = jnp.zeros((N, N), jnp.float32).at[:M, :M].set(n_neg)
    return zp, zn


def _gcn(x, src, dst, W, b):
    # PyG GCNConv: add self-loops, symmetric normalization, out[dst] += norm * (x @ W)[src], + bias
    N = x.shape[0]
    loop = jnp.arange(N, dtype=jnp.int32)
    s = jnp.concatenate([src.astype(jnp.int32), loop])
    d = jnp.concatenate([dst.astype(jnp.int32), loop])
    deg = jnp.zeros((N,), jnp.float32).at[d].add(1.0)
    dinv = jnp.where(deg > 0, deg ** -0.5, 0.0)
    norm = dinv[s] * dinv[d]
    h = x @ W
    out = jnp.zeros((N, W.shape[1]), jnp.float32).at[d].add(norm[:, None] * h[s])
    return out + b


def _gcn_dense(x, C, W, b):
    # Same GCNConv math with edge multiplicities carried as counts C[src, dst]
    deg = C.sum(axis=0) + 1.0
    dinv = jnp.where(deg > 0, deg ** -0.5, 0.0)
    h = dinv[:, None] * (x @ W)
    out = dinv[:, None] * (C.T @ h + h)
    return out + b


def _rk4(x0, C, Wt, W, b):
    # torchdiffeq-style rk4, step_size=0.1 from t=0 to t=1, return final state
    def f(t, x):
        tf = jax.nn.sigmoid(jnp.full((1, 1), t, jnp.float32) @ Wt.T)
        return jax.nn.relu(_gcn_dense(x, C, W, b)) * tf

    x = x0
    h = 0.1
    t = 0.0
    for _ in range(10):
        k1 = f(t, x)
        k2 = f(t + h / 2, x + h / 2 * k1)
        k3 = f(t + h / 2, x + h / 2 * k2)
        k4 = f(t + h, x + h * k3)
        x = x + (h / 6.0) * (k1 + 2 * k2 + 2 * k3 + k4)
        t += h
    return x


def setup_inputs(seed: int = 0):
    key = jax.random.key(seed)
    ks = jax.random.split(key, 20)
    N, IN, HID = 10000, 128, 32
    inp = {}
    inp['H_t'] = jax.random.normal(ks[0], (N, IN), jnp.float32)
    inp['A_pos_t'] = jax.random.randint(ks[1], (2, 160000), 0, N, jnp.int32)
    inp['A_neg_t'] = jax.random.randint(ks[2], (2, 160000), 0, N, jnp.int32)
    inp['A_pos_tp1'] = jax.random.randint(ks[3], (2, 20000), 0, 2048, jnp.int32)
    inp['A_neg_tp1'] = jax.random.randint(ks[4], (2, 20000), 0, 2048, jnp.int32)
    inp['W_init'] = jax.random.normal(ks[5], (IN, HID), jnp.float32) * (1.0 / np.sqrt(IN))
    inp['b_init'] = jnp.zeros((HID,), jnp.float32)
    inp['Wt_pos'] = jax.random.normal(ks[6], (HID, 1), jnp.float32) * 0.5
    inp['W_pos'] = jax.random.normal(ks[7], (HID, HID), jnp.float32) * (1.0 / np.sqrt(HID))
    inp['b_pos'] = jnp.zeros((HID,), jnp.float32)
    inp['Wt_neg'] = jax.random.normal(ks[8], (HID, 1), jnp.float32) * 0.5
    inp['W_neg'] = jax.random.normal(ks[9], (HID, HID), jnp.float32) * (1.0 / np.sqrt(HID))
    inp['b_neg'] = jnp.zeros((HID,), jnp.float32)
    inp['W_comb'] = jax.random.normal(ks[10], (2 * HID, HID), jnp.float32) * (1.0 / np.sqrt(2 * HID))
    inp['b_comb'] = jnp.zeros((HID,), jnp.float32)
    inp['gamma'] = jnp.ones((HID,), jnp.float32)
    inp['beta'] = jnp.zeros((HID,), jnp.float32)
    return inp


def reference(H_t, A_pos_t, A_pos_tp1, A_neg_t, A_neg_tp1, W_init, b_init, Wt_pos, W_pos, b_pos, Wt_neg, W_neg, b_neg, W_comb, b_comb, gamma, beta):
    N = H_t.shape[0]
    M = 2048
    e0 = jnp.concatenate([A_pos_t, A_neg_t], axis=1)
    H1 = jax.nn.relu(_gcn(H_t, e0[0], e0[1], W_init, b_init))
    d_pos = _edge_diff(A_pos_tp1, A_pos_t, N)
    d_neg = _edge_diff(A_neg_tp1, A_neg_t, N)
    i_pos, i_neg = _find_indirect(A_pos_tp1, A_neg_tp1, M, N)
    C_pos = d_pos + i_pos
    C_neg = d_neg + i_neg
    z_pos = jnp.where(C_pos.sum() > 0, _rk4(H1, C_pos, Wt_pos, W_pos, b_pos), jnp.zeros_like(H1))
    z_neg = jnp.where(C_neg.sum() > 0, _rk4(H1, C_neg, Wt_neg, W_neg, b_neg), jnp.zeros_like(H1))
    z = jnp.concatenate([z_pos, z_neg], axis=-1) @ W_comb + b_comb
    mu = z.mean(-1, keepdims=True)
    var = ((z - mu) ** 2).mean(-1, keepdims=True)
    return (z - mu) / jnp.sqrt(var + 1e-5) * gamma + beta

if __name__ == "__main__":
    import jax
    _d = setup_inputs()
    print(jax.jit(kernel)(*tuple(_d.values())))

</pallas_src>

<mosaic_0001>
module attributes {stable_mosaic.version = 14 : i64} {
  func.func @_mp_step_kernel(%arg0: i32, %arg1: i32, %arg2: memref<1024x2048xf32, #tpu.memory_space<vmem>>, %arg3: memref<2048x32xf32, #tpu.memory_space<vmem>>, %arg4: memref<1024x32xf32, #tpu.memory_space<vmem>>, %arg5: memref<1024x1xf32, #tpu.memory_space<vmem>>, %arg6: memref<1x32xf32, #tpu.memory_space<vmem>>, %arg7: memref<1x32xf32, #tpu.memory_space<vmem>>, %arg8: memref<1024x32xf32, #tpu.memory_space<vmem>>) attributes {dimension_semantics = [#tpu.dimension_semantics<arbitrary>, #tpu.dimension_semantics<arbitrary>], iteration_bounds = array<i64: 10, 5>, scalar_prefetch = 0 : i64, scratch_operands = 0 : i64, tpu.core_type = #tpu.core_type<tc>, window_params = [{transform_indices = @transform_0, window_bounds = array<i64: 1024, 2048>}, {transform_indices = @transform_1, window_bounds = array<i64: 2048, 32>}, {transform_indices = @transform_2, window_bounds = array<i64: 1024, 32>}, {transform_indices = @transform_3, window_bounds = array<i64: 1024, 1>}, {pipeline_mode = #tpu.pipeline_mode<synchronous>, transform_indices = @transform_4, window_bounds = array<i64: 1, 32>}, {pipeline_mode = #tpu.pipeline_mode<synchronous>, transform_indices = @transform_5, window_bounds = array<i64: 1, 32>}, {transform_indices = @transform_6, window_bounds = array<i64: 1024, 32>}]} {
    %get3A = arith.constant 0 : index
    %get3A_0 = arith.constant 0 : index
    %get3A_1 = vector.load %arg2[%get3A, %get3A_0] : memref<1024x2048xf32, #tpu.memory_space<vmem>>, vector<1024x2048xf32>
    %get3A_2 = arith.constant 0 : index
    %get3A_3 = arith.constant 0 : index
    %get3A_4 = vector.load %arg3[%get3A_2, %get3A_3] : memref<2048x32xf32, #tpu.memory_space<vmem>>, vector<2048x32xf32>
    %dot_general3A = arith.constant dense<0.000000e+00> : vector<1024x32xf32>
    %dot_general3A_5 = tpu.matmul %get3A_1, %get3A_4, %dot_general3A {dimension_numbers = #tpu.dot_dimension_numbers<[1], [0], [0], [1], [0, 0, 1, 1], [], []>, transpose_lhs_hint = false} : vector<1024x2048xf32>, vector<2048x32xf32>, vector<1024x32xf32> -> vector<1024x32xf32>
    %eq3A = arith.constant 0 : i32
    %eq3A_6 = arith.cmpi eq, %arg1, %eq3A : i32
    %convert_element_type3A = arith.extui %eq3A_6 : i1 to i32
    %cond3A = arith.constant 0 : i32
    %cond3A_7 = arith.cmpi ne, %convert_element_type3A, %cond3A : i32
    scf.if %cond3A_7 {
      %swap3A = arith.constant 0 : index
      %swap3A_17 = arith.constant 0 : index
      %swap3A_18 = vector.load %arg8[%swap3A, %swap3A_17] : memref<1024x32xf32, #tpu.memory_space<vmem>>, vector<1024x32xf32>
      tpu.vector_store %arg8[%swap3A, %swap3A_17], %dot_general3A_5 {strides = array<i32>} : memref<1024x32xf32, #tpu.memory_space<vmem>>, vector<1024x32xf32>,
    } else {
    }
    %ne3A = arith.constant 0 : i32
    %ne3A_8 = arith.cmpi ne, %arg1, %ne3A : i32
    %convert_element_type3A_9 = arith.extui %ne3A_8 : i1 to i32
    %cond3A_10 = arith.constant 0 : i32
    %cond3A_11 = arith.cmpi ne, %convert_element_type3A_9, %cond3A_10 : i32
    scf.if %cond3A_11 {
      %get3A_17 = arith.constant 0 : index
      %get3A_18 = arith.constant 0 : index
      %get3A_19 = vector.load %arg8[%get3A_17, %get3A_18] : memref<1024x32xf32, #tpu.memory_space<vmem>>, vector<1024x32xf32>
      %add3A = arith.addf %get3A_19, %dot_general3A_5 : vector<1024x32xf32>
      %swap3A = arith.constant 0 : index
      %swap3A_20 = arith.constant 0 : index
      %swap3A_21 = vector.load %arg8[%swap3A, %swap3A_20] : memref<1024x32xf32, #tpu.memory_space<vmem>>, vector<1024x32xf32>
      tpu.vector_store %arg8[%swap3A, %swap3A_20], %add3A {strides = array<i32>} : memref<1024x32xf32, #tpu.memory_space<vmem>>, vector<1024x32xf32>,
    } else {
    }
    %eq3A_12 = arith.constant 4 : i32
    %eq3A_13 = arith.cmpi eq, %arg1, %eq3A_12 : i32
    %convert_element_type3A_14 = arith.extui %eq3A_13 : i1 to i32
    %cond3A_15 = arith.constant 0 : i32
    %cond3A_16 = arith.cmpi ne, %convert_element_type3A_14, %cond3A_15 : i32
    scf.if %cond3A_16 {
      %get3A_17 = arith.constant 0 : index
      %get3A_18 = arith.constant 0 : index
      %get3A_19 = vector.load %arg8[%get3A_17, %get3A_18] : memref<1024x32xf32, #tpu.memory_space<vmem>>, vector<1024x32xf32>
      %get3A_20 = arith.constant 0 : index
      %get3A_21 = arith.constant 0 : index
      %get3A_22 = vector.load %arg4[%get3A_20, %get3A_21] : memref<1024x32xf32, #tpu.memory_space<vmem>>, vector<1024x32xf32>
      %add3A = arith.addf %get3A_19, %get3A_22 : vector<1024x32xf32>
      %get3A_23 = arith.constant 0 : index
      %get3A_24 = arith.constant 0 : index
      %get3A_25 = vector.load %arg5[%get3A_23, %get3A_24] : memref<1024x1xf32, #tpu.memory_space<vmem>>, vector<1024x1xf32>
      %mul3A = vector.broadcast %get3A_25 : vector<1024x1xf32> to vector<1024x32xf32>
      %mul3A_26 = arith.mulf %mul3A, %add3A : vector<1024x32xf32>
      %get3A_27 = arith.constant 0 : index
      %get3A_28 = arith.constant 0 : index
      %get3A_29 = vector.load %arg6[%get3A_27, %get3A_28] : memref<1x32xf32, #tpu.memory_space<vmem>>, vector<1x32xf32>
      %add3A_30 = vector.broadcast %get3A_29 : vector<1x32xf32> to vector<1024x32xf32>
      %add3A_31 = arith.addf %mul3A_26, %add3A_30 : vector<1024x32xf32>
      %max3A = arith.constant 0.000000e+00 : f32
      %max3A_32 = vector.broadcast %max3A : f32 to vector<1024x32xf32>
      %max3A_33 = arith.maximumf %add3A_31, %max3A_32 : vector<1024x32xf32>
      %get3A_34 = arith.constant 0 : index
      %get3A_35 = arith.constant 0 : index
      %get3A_36 = vector.load %arg7[%get3A_34, %get3A_35] : memref<1x32xf32, #tpu.memory_space<vmem>>, vector<1x32xf32>
      %mul3A_37 = vector.broadcast %get3A_36 : vector<1x32xf32> to vector<1024x32xf32>
      %mul3A_38 = arith.mulf %max3A_33, %mul3A_37 : vector<1024x32xf32>
      %swap3A = arith.constant 0 : index
      %swap3A_39 = arith.constant 0 : index
      %swap3A_40 = vector.load %arg8[%swap3A, %swap3A_39] : memref<1024x32xf32, #tpu.memory_space<vmem>>, vector<1024x32xf32>
      tpu.vector_store %arg8[%swap3A, %swap3A_39], %mul3A_38 {strides = array<i32>} : memref<1024x32xf32, #tpu.memory_space<vmem>>, vector<1024x32xf32>,
    } else {
    }
    return
  }
  func.func @transform_0(%arg0: i32, %arg1: i32) -> (i32, i32) {
    %c0_i32 = arith.constant 0 : i32
    return %arg0, %arg1 : i32, i32
  }
  func.func @transform_1(%arg0: i32, %arg1: i32) -> (i32, i32) {
    %c0_i32 = arith.constant 0 : i32
    %c0_i32_0 = arith.constant 0 : i32
    return %arg1, %c0_i32 : i32, i32
  }
  func.func @transform_2(%arg0: i32, %arg1: i32) -> (i32, i32) {
    %c0_i32 = arith.constant 0 : i32
    %c0_i32_0 = arith.constant 0 : i32
    return %arg0, %c0_i32 : i32, i32
  }
  func.func @transform_3(%arg0: i32, %arg1: i32) -> (i32, i32) {
    %c0_i32 = arith.constant 0 : i32
    %c0_i32_0 = arith.constant 0 : i32
    return %arg0, %c0_i32 : i32, i32
  }
  func.func @transform_4(%arg0: i32, %arg1: i32) -> (i32, i32) {
    %c0_i32 = arith.constant 0 : i32
    %c0_i32_0 = arith.constant 0 : i32
    %c0_i32_1 = arith.constant 0 : i32
    return %c0_i32, %c0_i32_0 : i32, i32
  }
  func.func @transform_5(%arg0: i32, %arg1: i32) -> (i32, i32) {
    %c0_i32 = arith.constant 0 : i32
    %c0_i32_0 = arith.constant 0 : i32
    %c0_i32_1 = arith.constant 0 : i32
    return %c0_i32, %c0_i32_0 : i32, i32
  }
  func.func @transform_6(%arg0: i32, %arg1: i32) -> (i32, i32) {
    %c0_i32 = arith.constant 0 : i32
    %c0_i32_0 = arith.constant 0 : i32
    return %arg0, %c0_i32 : i32, i32
  }
}

</mosaic_0001>

<sc_bundles>
// kernel: scatter_offload_async_start.1
scs
__scs_entry_jumppad:
0x0: {  	(pc) =	sbr.rel $0x88, $3  }
0x1: {  	(tag) =	ssettag $0x0;
	lr =	simm.s32 $0x1  }
0x2: {  	[smem:$0x3F90] =	sst lr;
	_ =	strace $0xD0000000  }
0x3: {  	_ = 	snop  }
0x4: {  	_ = 	snop  }
0x5: {  	_ = 	snop  }
0x6: {  	_ = 	snop  }
0x7: {  	_ = 	snop  }
__scs_overlays_trampoline_lowered:
0x8: {  	[smem:$0x3F9F] =	sst s0  }
0x9: {  	[smem:$0x3FA0] =	sst s1  }
0xa: {  	[smem:$0x3FA1] =	sst s2  }
0xb: {  	[smem:$0x3FA2] =	sst s3  }
0xc: {  	[smem:$0x3FA3] =	sst s4  }
0xd: {  	[smem:$0x3FA4] =	sst s5  }
0xe: {  	[smem:$0x3FA5] =	sst s6  }
0xf: {  	[smem:$0x3FA6] =	sst s7  }
0x10: {  	[smem:$0x3FA7] =	sst s8  }
0x11: {  	[smem:$0x3FA8] =	sst s9;
	s0 =	simm.s32 @!p0 $0x0  }
0x12: {  	s1 =	sld [smem:$0x3F8E];
	s0 =	simm.s32 @p0 $0x1  }
0x13: {  	[smem:$0x3FA9] =	sst s0;
	s0 =	simm.s32 @!p1 $0x0  }
0x14: {  	s2 =	sld [smem:$0x3F8D];
	s0 =	simm.s32 @p1 $0x1  }
0x15: {  	[smem:$0x3FAA] =	sst s0;
	s0 =	simm.s32 @!p2 $0x0  }
0x16: {  	s3 =	sld [smem:$0x3FDB];
	s0 =	simm.s32 @p2 $0x1  }
0x17: {  	s4 =	simm.s32 $0x1BF5;
	[smem:$0x3FAC] =	sst s0  }
0x18: {  	s0 =	sld [smem:$0x3F8F];
	_ =	swait.ge [sflag:s4], $0x0  }
0x19: {  	s7 =	sld [smem:$0x3F90]  }
0x1a: {  	s8 =	sadd.s32 $0xFFFFE003, lr  }
0x1b: {  	s9 =	sadd.s32 $0xFFFFFEF7, lr;
	s5 =	simm.s32 $0xFFFFFFFF;
	p2 =	slt.u32 s8, $0xFFFFF086  }
0x1c: {  	p1 =	slt.u32 s9, $0xF7A;
	s5 =	simm.s32 @!p2 $0x0  }
0x1d: {  	s5 =	simm.s32 @p1 $0x1;
	p0 =	seq.s32 s7, s2  }
0x1e: {  	s7 =	smul.u32 @!p0 $0xF7A, s2;
	p2 =	seq.s32 @!p0 s5, $0x0  }
0x1f: {  	s9 =	smul.u32 $0xF7A, s1;
	s8 =	simm.s32 @!p0 $0x1BF5;
	p2 =	por !p2, p0  }
0x20: {  	[sflag:s8] =	ssyncset.s32 @!p0 $0xFFFFF086;
	s6 =	sadd.s32 @!p0 s3, s7;
	s7 =	simm.s32 @!p0 $0x108  }
0x21: {  	s3 =	sadd.s32 s3, s9;
	s6 =	sadd.s32 @!p0 $0x88, s6;
	s7 =	simm.s32 @p2 $0x1082  }
0x22: {  	[simem:s7], [sflag:s8] =	dma.local @!p0 [hbm:s6], $0xF7A  }
0x23: {  	s9 =	sor.u32 $0xD0000000, s2;
	s6 =	simm.s32 $0x108;
	_ =	swait.ge @!p0 [sflag:s8], $0x0  }
0x24: {  	s3 =	sadd.s32 $0x88, s3;
	s6 =	simm.s32 @!p1 $0x1082;
	[sflag:s4] =	ssyncset.s32 $0xFFFFF086  }
0x25: {  	[simem:s6], [sflag:s4] =	dma.local [hbm:s3], $0xF7A  }
0x26: {  	[smem:$0x3F90] =	sst s1;
	(tag) =	ssettag s2;
	_ =	strace s9  }
0x27: {  	s1 =	sld [smem:$0x3FA0]  }
0x28: {  	s2 =	sld [smem:$0x3FA1]  }
0x29: {  	s4 =	sld [smem:$0x3FA3]  }
0x2a: {  	p0 =	seq.s32 s5, $0x0;
	s5 =	sld [smem:$0x3FA4]  }
0x2b: {  	s6 =	sld [smem:$0x3FA5]  }
0x2c: {  	s7 =	sld [smem:$0x3FA6]  }
0x2d: {  	s3 =	simm.s32 $0x108;
	s8 =	sld [smem:$0x3FA7]  }
0x2e: {  	s3 =	simm.s32 @!p0 $0x1082;
	s9 =	sld [smem:$0x3FA8]  }
0x2f: {  	lr =	sadd.s32 s0, s3;
	s0 =	sld [smem:$0x3F9F]  }
0x30: {  	s3 =	sld [smem:$0x3FA2]  }
0x31: {  	[smem:$0x3FAB] =	sst s10  }
0x32: {  	s10 =	sld [smem:$0x3FA9];
	_ =	sdelay $0x3  }
0x33: {  	p0 =	seq.s32 s10, $0x1;
	s10 =	sld [smem:$0x3FAB];
	_ =	sdelay $0x3  }
0x34: {  	[smem:$0x3FAB] =	sst s10  }
0x35: {  	s10 =	sld [smem:$0x3FAA];
	_ =	sdelay $0x3  }
0x36: {  	p1 =	seq.s32 s10, $0x1;
	s10 =	sld [smem:$0x3FAB];
	_ =	sdelay $0x3  }
0x37: {  	[smem:$0x3FAB] =	sst s10  }
0x38: {  	s10 =	sld [smem:$0x3FAC]  }
0x39: {  	_ = 	snop;
	(pc) =	sbr.ind lr, $3  }
0x3a: {  	_ = 	snop  }
0x3b: {  	_ = 	snop  }
0x3c: {  	p2 =	seq.s32 s10, $0x1;
	s10 =	sld [smem:$0x3FAB]  }
0x3d: {  	_ =	shalt  }
0x3e: {  	_ =	shalt  }
0x3f: {  	_ =	shalt  }
0x40: {  	_ =	shalt  }
0x41: {  	_ =	shalt  }
0x42: {  	_ =	shalt  }
0x43: {  	_ =	shalt  }
0x44: {  	_ =	shalt  }
0x45: {  	_ =	shalt  }
0x46: {  	_ =	shalt  }
0x47: {  	_ =	shalt  }
0x48: {  	_ =	shalt  }
0x49: {  	_ =	shalt  }
0x4a: {  	_ =	shalt  }
0x4b: {  	_ =	shalt  }
0x4c: {  	_ =	shalt  }
0x4d: {  	_ =	shalt  }
0x4e: {  	_ =	shalt  }
0x4f: {  	_ =	shalt  }
0x50: {  	_ =	shalt  }
0x51: {  	_ =	shalt  }
0x52: {  	_ =	shalt  }
0x53: {  	_ =	shalt  }
0x54: {  	_ =	shalt  }
0x55: {  	_ =	shalt  }
0x56: {  	_ =	shalt  }
0x57: {  	_ =	shalt  }
0x58: {  	_ =	shalt  }
0x59: {  	_ =	shalt  }
0x5a: {  	_ =	shalt  }
0x5b: {  	_ =	shalt  }
0x5c: {  	_ =	shalt  }
0x5d: {  	_ =	shalt  }
0x5e: {  	_ =	shalt  }
0x5f: {  	_ =	shalt  }
0x60: {  	_ =	shalt  }
0x61: {  	_ =	shalt  }
0x62: {  	_ =	shalt  }
0x63: {  	_ =	shalt  }
0x64: {  	_ =	shalt  }
0x65: {  	_ =	shalt  }
0x66: {  	_ =	shalt  }
0x67: {  	_ =	shalt  }
0x68: {  	_ =	shalt  }
0x69: {  	_ =	shalt  }
0x6a: {  	_ =	shalt  }
0x6b: {  	_ =	shalt  }
0x6c: {  	_ =	shalt  }
0x6d: {  	_ =	shalt  }
0x6e: {  	_ =	shalt  }
0x6f: {  	_ =	shalt  }
0x70: {  	_ =	shalt  }
0x71: {  	_ =	shalt  }
0x72: {  	_ =	shalt  }
0x73: {  	_ =	shalt  }
0x74: {  	_ =	shalt  }
0x75: {  	_ =	shalt  }
0x76: {  	_ =	shalt  }
0x77: {  	_ =	shalt  }
0x78: {  	_ =	shalt  }
0x79: {  	_ =	shalt  }
0x7a: {  	_ =	shalt  }
0x7b: {  	_ =	shalt  }
0x7c: {  	_ =	shalt  }
0x7d: {  	_ =	shalt  }
0x7e: {  	_ =	shalt  }
0x7f: {  	_ =	shalt  }
0x80: {  	_ =	shalt  }
0x81: {  	_ =	shalt  }
0x82: {  	_ =	shalt  }
0x83: {  	_ =	shalt  }
0x84: {  	_ =	shalt  }
0x85: {  	_ =	shalt  }
0x86: {  	_ =	shalt  }
0x87: {  	_ =	shalt  }
.Lfunc_end0:
.L_simem_size_0:
called_computation.1_lowered:
.L_overlay_start_0:
0x88: {  	s0 =	sld [smem:$0x3FD9]  }
0x89: {  	s1 =	sld [smem:$0x3FFE];
	_ =	sdelay $0x3  }
0x8a: {  	s0 =	sadd.s32 s1, s0  }
0x8b: {  	[smem:$0x3FB7] =	sst s0  }
0x8c: {  	_ = 	snop  }
0x8d: {  	s0 =	sld [smem:$0x3FD0];
	(tm) =	ssettm $0x1  }
0x8e: {  	s16 =	sld [smem:$0x3FFB];
	_ =	sdelay $0x3  }
0x8f: {  	_ =	strace s16  }
0x90: {  	s1 =	sld [smem:$0x3FFC];
	_ =	sdelay $0x3  }
0x91: {  	_ =	strace s1  }
0x92: {  	s1 =	sld [smem:$0x3FFD];
	_ =	sdelay $0x3  }
0x93: {  	_ =	strace s1  }
0x94: {  	_ =	strace $0x8FFFFFFF  }
0x95: {  	s17 =	sld [smem:$0x3FDB];
	_ =	sdelay $0x1  }
0x96: {  	s2 =	simm.s32 $_scs_section_size  }
0x97: {  	s3 =	simm.s32 $_size__tile_overlayer_lowered;
	s4 =	simm.s32 $_tile_overlayer_lowered  }
0x98: {  	s20 =	simm.s32 $0x1BFF;
	s19 =	sshll.u32 s4, $0x1;
	s1 =	sadd.s32 s2, s17  }
0x99: {  	s5 =	simm.s32 $0x0;
	s18 =	sshll.u32 s3, $0x1;
	s3 =	sadd.s32 s19, s1  }
0x9a: {  	[timem:s5], [sflag:s20] =	dma.local [hbm:s3], s18  }
0x9b: {  	_ =	swait.ge [sflag:s20], s18  }
0x9c: {  	s2 =	ssub.s32 $0x0, s18;
	[sflag:s20] =	ssyncset.done $0x0  }
0x9d: {  	[sflag:s20] =	ssyncadd.s32 s2;
	_ =	sdelay $0x1  }
0x9e: {  	s21 =	simm.s32 $0x1B8B  }
0x9f: {  	_ =	swait.ge [sflag:s21], $0x1  }
0xa0: {  	[sflag:s21] =	ssyncset.done $0x0  }
0xa1: {  	s23 =	simm.s32 $0x1B8E;
	s22 =	sld [smem:$0x3FFE];
	[sflag:s21] =	ssyncadd.s32 $0xFFFFFFFF  }
0xa2: {  	s24 =	simm.s32 $execute0_lowered;
	[smem:$0x3FD2] =	sst s23  }
0xa3: {  	s3 =	sshll.u32 s24, $0x1;
	_ =	strace $0x8000004F;
	[dreg:$0x1] =	wrdreg $0xFFFFFFFF  }
0xa4: {  	s25 =	simm.s32 $_size_execute0_lowered;
	s1 =	sadd.s32 s1, s3;
	[dreg:$0x0] =	wrdreg $0x0  }
0xa5: {  	s3 =	sshll.u32 s25, $0x1;
	[dreg:$0x2] =	wrdreg s1  }
0xa6: {  	[dreg:$0x3] =	wrdreg s3  }
0xa7: {  	[dreg:$0x4] =	wrdreg $0xC0  }
0xa8: {  	_ =	task [dreg:s5], $0x5FFFF  }
0xa9: {  	[dreg:$0x1] =	wrdreg $0xFFFFFFFF  }
0xaa: {  	[dreg:$0x0] =	wrdreg $0x60  }
0xab: {  	[dreg:$0x2] =	wrdreg s22  }
0xac: {  	[dreg:$0x3] =	wrdreg s0  }
0xad: {  	[dreg:$0x4] =	wrdreg $0xB  }
0xae: {  	_ =	task.clear_ibuf [dreg:s5], $0x5FFFF;
	_ =	strace $0x9000004F  }
0xaf: {  	s26 =	simm.s32 $0xB;
	_ =	strace $0x80000051  }
0xb0: {  	_ =	swait.ge [sflag:s26], $0x1  }
0xb1: {  	[sflag:s26] =	ssyncadd.s32 $0xFFFFFFFF  }
0xb2: {  	_ =	strace $0x90000051  }
0xb3: {  	_ =	sfence  }
0xb4: {  	s28 =	sld [smem:$0x0];
	_ =	sdelay $0x1  }
0xb5: {  	s29 =	srdreg.scid  }
0xb6: {  	s30 =	sshll.u32 s29, $0xD;
	s31 =	sshrl.u32 s29, $0x2  }
0xb7: {  	s2 =	sand.u32 $0x4000, s30;
	s1 =	sand.u32 $0x1, s29;
	s0 =	sadd.s32 s31, s28  }
0xb8: {  	s1 =	sor.u32 s2, s1;
	s0 =	sshll.u32 s0, $0x11  }
0xb9: {  	s0 =	sor.u32 s0, s1  }
0xba: {  	s0 =	sadd.s32 $0x8F2B, s0  }
0xbb: {  	[sflag:s0] =	ssyncadd.remote.s32 $0x1  }
0xbc: {  	_ =	sfence.sel $0xFFFF  }
0xbd: {  	[dreg:$0x0] =	wrdreg $0xFFFFFFFF;
	(pc) =	sbr.abs _section_cstart, $3  }
0xbe: {  	[dreg:$0x1] =	wrdreg $0xFFFFFFFF  }
0xbf: {  	_ =	task.clear_ibuf [dreg:s5], $0x2FFFF;
	_ =	strace $0x9FFFFFFF  }
0xc0: {  	(tm) =	ssettm $0x7FFFFFFF  }
0xc1: {  	_ =	shalt  }
tec
execute0_lowered:
.L_overlay_start_1:
0x0: {  	(tag) =	ssettag $0x1  }
0x1: {  	s3 =	rddreg [dreg:$0x0]  }
0x2: {  	s8 =	rddreg [dreg:$0x1];
	_ =	strace $0x80000050;
	s2 =	simm.s32 $0x1  }
0x3: {  	v0 =	vimm.s32 $0x0;
	[sflag:s2] =	ssyncpa.u1 $0x0  }
0x4: {  	[tilespmem:$0x48] =	vst v0  }
0x5: {  	[tilespmem:$0x58] =	vst v0  }
0x6: {  	[tilespmem:$0x68] =	vst v0  }
0x7: {  	[tilespmem:$0x78] =	vst v0  }
0x8: {  	[tilespmem:$0x88] =	vst v0  }
0x9: {  	[tilespmem:$0x98] =	vst v0  }
0xa: {  	[tilespmem:$0xA8] =	vst v0  }
0xb: {  	[tilespmem:$0xB8] =	vst v0  }
0xc: {  	[tilespmem:$0xC8] =	vst v0  }
0xd: {  	[tilespmem:$0xD8] =	vst v0  }
0xe: {  	[tilespmem:$0xE8] =	vst v0  }
0xf: {  	[tilespmem:$0xF8] =	vst v0  }
0x10: {  	[tilespmem:$0x108] =	vst v0  }
0x11: {  	[tilespmem:$0x118] =	vst v0  }
0x12: {  	[tilespmem:$0x128] =	vst v0  }
0x13: {  	[tilespmem:$0x138] =	vst v0  }
0x14: {  	[tilespmem:$0x148] =	vst v0  }
0x15: {  	[tilespmem:$0x158] =	vst v0  }
0x16: {  	[tilespmem:$0x168] =	vst v0  }
0x17: {  	[tilespmem:$0x178] =	vst v0  }
0x18: {  	[tilespmem:$0x188] =	vst v0  }
0x19: {  	[tilespmem:$0x198] =	vst v0  }
0x1a: {  	[tilespmem:$0x1A8] =	vst v0  }
0x1b: {  	[tilespmem:$0x1B8] =	vst v0  }
0x1c: {  	[tilespmem:$0x1C8] =	vst v0  }
0x1d: {  	[tilespmem:$0x1D8] =	vst v0  }
0x1e: {  	[tilespmem:$0x1E8] =	vst v0  }
0x1f: {  	[tilespmem:$0x1F8] =	vst v0  }
0x20: {  	[tilespmem:$0x208] =	vst v0  }
0x21: {  	[tilespmem:$0x218] =	vst v0  }
0x22: {  	[tilespmem:$0x228] =	vst v0  }
0x23: {  	[tilespmem:$0x238] =	vst v0  }
0x24: {  	[tilespmem:$0x248] =	vst v0  }
0x25: {  	[tilespmem:$0x258] =	vst v0  }
0x26: {  	[tilespmem:$0x268] =	vst v0  }
0x27: {  	[tilespmem:$0x278] =	vst v0  }
0x28: {  	[tilespmem:$0x288] =	vst v0  }
0x29: {  	[tilespmem:$0x298] =	vst v0  }
0x2a: {  	[tilespmem:$0x2A8] =	vst v0  }
0x2b: {  	[tilespmem:$0x2B8] =	vst v0  }
0x2c: {  	[tilespmem:$0x2C8] =	vst v0  }
0x2d: {  	[tilespmem:$0x2D8] =	vst v0  }
0x2e: {  	[tilespmem:$0x2E8] =	vst v0  }
0x2f: {  	[tilespmem:$0x2F8] =	vst v0  }
0x30: {  	[tilespmem:$0x308] =	vst v0  }
0x31: {  	[tilespmem:$0x318] =	vst v0  }
0x32: {  	[tilespmem:$0x328] =	vst v0  }
0x33: {  	[tilespmem:$0x338] =	vst v0  }
0x34: {  	[tilespmem:$0x348] =	vst v0  }
0x35: {  	[tilespmem:$0x358] =	vst v0  }
0x36: {  	[tilespmem:$0x368] =	vst v0  }
0x37: {  	[tilespmem:$0x378] =	vst v0  }
0x38: {  	[tilespmem:$0x388] =	vst v0  }
0x39: {  	[tilespmem:$0x398] =	vst v0  }
0x3a: {  	[tilespmem:$0x3A8] =	vst v0  }
0x3b: {  	[tilespmem:$0x3B8] =	vst v0  }
0x3c: {  	[tilespmem:$0x3C8] =	vst v0  }
0x3d: {  	[tilespmem:$0x3D8] =	vst v0  }
0x3e: {  	[tilespmem:$0x3E8] =	vst v0  }
0x3f: {  	[tilespmem:$0x3F8] =	vst v0  }
0x40: {  	[tilespmem:$0x408] =	vst v0  }
0x41: {  	[tilespmem:$0x418] =	vst v0  }
0x42: {  	[tilespmem:$0x428] =	vst v0  }
0x43: {  	[tilespmem:$0x438] =	vst v0  }
0x44: {  	[tilespmem:$0x448] =	vst v0  }
0x45: {  	[tilespmem:$0x458] =	vst v0  }
0x46: {  	[tilespmem:$0x468] =	vst v0  }
0x47: {  	[tilespmem:$0x478] =	vst v0  }
0x48: {  	[tilespmem:$0x488] =	vst v0  }
0x49: {  	[tilespmem:$0x498] =	vst v0  }
0x4a: {  	[tilespmem:$0x4A8] =	vst v0  }
0x4b: {  	[tilespmem:$0x4B8] =	vst v0  }
0x4c: {  	[tilespmem:$0x4C8] =	vst v0  }
0x4d: {  	[tilespmem:$0x4D8] =	vst v0  }
0x4e: {  	[tilespmem:$0x4E8] =	vst v0  }
0x4f: {  	[tilespmem:$0x4F8] =	vst v0  }
0x50: {  	[tilespmem:$0x508] =	vst v0  }
0x51: {  	[tilespmem:$0x518] =	vst v0  }
0x52: {  	[tilespmem:$0x528] =	vst v0  }
0x53: {  	[tilespmem:$0x538] =	vst v0  }
0x54: {  	[tilespmem:$0x548] =	vst v0  }
0x55: {  	[tilespmem:$0x558] =	vst v0  }
0x56: {  	[tilespmem:$0x568] =	vst v0  }
0x57: {  	[tilespmem:$0x578] =	vst v0  }
0x58: {  	[tilespmem:$0x588] =	vst v0  }
0x59: {  	[tilespmem:$0x598] =	vst v0  }
0x5a: {  	[tilespmem:$0x5A8] =	vst v0  }
0x5b: {  	[tilespmem:$0x5B8] =	vst v0  }
0x5c: {  	[tilespmem:$0x5C8] =	vst v0  }
0x5d: {  	[tilespmem:$0x5D8] =	vst v0  }
0x5e: {  	[tilespmem:$0x5E8] =	vst v0  }
0x5f: {  	[tilespmem:$0x5F8] =	vst v0  }
0x60: {  	[tilespmem:$0x608] =	vst v0  }
0x61: {  	[tilespmem:$0x618] =	vst v0  }
0x62: {  	[tilespmem:$0x628] =	vst v0  }
0x63: {  	[tilespmem:$0x638] =	vst v0  }
0x64: {  	[tilespmem:$0x648] =	vst v0  }
0x65: {  	[tilespmem:$0x658] =	vst v0  }
0x66: {  	[tilespmem:$0x668] =	vst v0  }
0x67: {  	[tilespmem:$0x678] =	vst v0  }
0x68: {  	[tilespmem:$0x688] =	vst v0  }
0x69: {  	[tilespmem:$0x698] =	vst v0  }
0x6a: {  	[tilespmem:$0x6A8] =	vst v0  }
0x6b: {  	[tilespmem:$0x6B8] =	vst v0  }
0x6c: {  	[tilespmem:$0x6C8] =	vst v0  }
0x6d: {  	[tilespmem:$0x6D8] =	vst v0  }
0x6e: {  	[tilespmem:$0x6E8] =	vst v0  }
0x6f: {  	[tilespmem:$0x6F8] =	vst v0  }
0x70: {  	[tilespmem:$0x708] =	vst v0  }
0x71: {  	[tilespmem:$0x718] =	vst v0  }
0x72: {  	[tilespmem:$0x728] =	vst v0  }
0x73: {  	[tilespmem:$0x738] =	vst v0  }
0x74: {  	[tilespmem:$0x748] =	vst v0  }
0x75: {  	[tilespmem:$0x758] =	vst v0  }
0x76: {  	[tilespmem:$0x768] =	vst v0  }
0x77: {  	[tilespmem:$0x778] =	vst v0  }
0x78: {  	[tilespmem:$0x788] =	vst v0  }
0x79: {  	[tilespmem:$0x798] =	vst v0  }
0x7a: {  	[tilespmem:$0x7A8] =	vst v0  }
0x7b: {  	[tilespmem:$0x7B8] =	vst v0  }
0x7c: {  	[tilespmem:$0x7C8] =	vst v0  }
0x7d: {  	[tilespmem:$0x7D8] =	vst v0  }
0x7e: {  	[tilespmem:$0x7E8] =	vst v0  }
0x7f: {  	[tilespmem:$0x7F8] =	vst v0  }
0x80: {  	[tilespmem:$0x808] =	vst v0  }
0x81: {  	[tilespmem:$0x818] =	vst v0  }
0x82: {  	[tilespmem:$0x828] =	vst v0  }
0x83: {  	[tilespmem:$0x838] =	vst v0  }
0x84: {  	[tilespmem:$0x848] =	vst v0  }
0x85: {  	[tilespmem:$0x858] =	vst v0  }
0x86: {  	[tilespmem:$0x868] =	vst v0  }
0x87: {  	[tilespmem:$0x878] =	vst v0  }
0x88: {  	[tilespmem:$0x888] =	vst v0  }
0x89: {  	[tilespmem:$0x898] =	vst v0  }
0x8a: {  	[tilespmem:$0x8A8] =	vst v0  }
0x8b: {  	[tilespmem:$0x8B8] =	vst v0  }
0x8c: {  	[tilespmem:$0x8C8] =	vst v0  }
0x8d: {  	[tilespmem:$0x8D8] =	vst v0  }
0x8e: {  	[tilespmem:$0x8E8] =	vst v0  }
0x8f: {  	[tilespmem:$0x8F8] =	vst v0  }
0x90: {  	[tilespmem:$0x908] =	vst v0  }
0x91: {  	[tilespmem:$0x918] =	vst v0  }
0x92: {  	[tilespmem:$0x928] =	vst v0  }
0x93: {  	[tilespmem:$0x938] =	vst v0  }
0x94: {  	[tilespmem:$0x948] =	vst v0  }
0x95: {  	[tilespmem:$0x958] =	vst v0  }
0x96: {  	[tilespmem:$0x968] =	vst v0  }
0x97: {  	[tilespmem:$0x978] =	vst v0  }
0x98: {  	[tilespmem:$0x988] =	vst v0  }
0x99: {  	[tilespmem:$0x998] =	vst v0  }
0x9a: {  	[tilespmem:$0x9A8] =	vst v0  }
0x9b: {  	[tilespmem:$0x9B8] =	vst v0  }
0x9c: {  	[tilespmem:$0x9C8] =	vst v0  }
0x9d: {  	[tilespmem:$0x9D8] =	vst v0  }
0x9e: {  	[tilespmem:$0x9E8] =	vst v0  }
0x9f: {  	[tilespmem:$0x9F8] =	vst v0  }
0xa0: {  	[tilespmem:$0xA08] =	vst v0  }
0xa1: {  	[tilespmem:$0xA18] =	vst v0  }
0xa2: {  	[tilespmem:$0xA28] =	vst v0  }
0xa3: {  	[tilespmem:$0xA38] =	vst v0  }
0xa4: {  	[tilespmem:$0xA48] =	vst v0  }
0xa5: {  	[tilespmem:$0xA58] =	vst v0  }
0xa6: {  	[tilespmem:$0xA68] =	vst v0  }
0xa7: {  	[tilespmem:$0xA78] =	vst v0  }
0xa8: {  	[tilespmem:$0xA88] =	vst v0  }
0xa9: {  	[tilespmem:$0xA98] =	vst v0  }
0xaa: {  	[tilespmem:$0xAA8] =	vst v0  }
0xab: {  	[tilespmem:$0xAB8] =	vst v0  }
0xac: {  	[tilespmem:$0xAC8] =	vst v0  }
0xad: {  	[tilespmem:$0xAD8] =	vst v0  }
0xae: {  	[tilespmem:$0xAE8] =	vst v0  }
0xaf: {  	[tilespmem:$0xAF8] =	vst v0  }
0xb0: {  	[tilespmem:$0xB08] =	vst v0  }
0xb1: {  	[tilespmem:$0xB18] =	vst v0  }
0xb2: {  	[tilespmem:$0xB28] =	vst v0  }
0xb3: {  	[tilespmem:$0xB38] =	vst v0  }
0xb4: {  	[tilespmem:$0xB48] =	vst v0  }
0xb5: {  	[tilespmem:$0xB58] =	vst v0  }
0xb6: {  	[tilespmem:$0xB68] =	vst v0  }
0xb7: {  	[tilespmem:$0xB78] =	vst v0  }
0xb8: {  	[tilespmem:$0xB88] =	vst v0  }
0xb9: {  	[tilespmem:$0xB98] =	vst v0  }
0xba: {  	[tilespmem:$0xBA8] =	vst v0  }
0xbb: {  	[tilespmem:$0xBB8] =	vst v0  }
0xbc: {  	[tilespmem:$0xBC8] =	vst v0  }
0xbd: {  	[tilespmem:$0xBD8] =	vst v0  }
0xbe: {  	[tilespmem:$0xBE8] =	vst v0  }
0xbf: {  	[tilespmem:$0xBF8] =	vst v0  }
0xc0: {  	[tilespmem:$0xC08] =	vst v0  }
0xc1: {  	[tilespmem:$0xC18] =	vst v0  }
0xc2: {  	[tilespmem:$0xC28] =	vst v0  }
0xc3: {  	[tilespmem:$0xC38] =	vst v0  }
0xc4: {  	[tilespmem:$0xC48] =	vst v0  }
0xc5: {  	[tilespmem:$0xC58] =	vst v0  }
0xc6: {  	[tilespmem:$0xC68] =	vst v0  }
0xc7: {  	[tilespmem:$0xC78] =	vst v0  }
0xc8: {  	[tilespmem:$0xC88] =	vst v0  }
0xc9: {  	[tilespmem:$0xC98] =	vst v0  }
0xca: {  	[tilespmem:$0xCA8] =	vst v0  }
0xcb: {  	[tilespmem:$0xCB8] =	vst v0  }
0xcc: {  	[tilespmem:$0xCC8] =	vst v0  }
0xcd: {  	[tilespmem:$0xCD8] =	vst v0  }
0xce: {  	[tilespmem:$0xCE8] =	vst v0  }
0xcf: {  	[tilespmem:$0xCF8] =	vst v0  }
0xd0: {  	[tilespmem:$0xD08] =	vst v0  }
0xd1: {  	[tilespmem:$0xD18] =	vst v0  }
0xd2: {  	[tilespmem:$0xD28] =	vst v0  }
0xd3: {  	[tilespmem:$0xD38] =	vst v0  }
0xd4: {  	[tilespmem:$0xD48] =	vst v0  }
0xd5: {  	[tilespmem:$0xD58] =	vst v0  }
0xd6: {  	[tilespmem:$0xD68] =	vst v0  }
0xd7: {  	[tilespmem:$0xD78] =	vst v0  }
0xd8: {  	[tilespmem:$0xD88] =	vst v0  }
0xd9: {  	[tilespmem:$0xD98] =	vst v0  }
0xda: {  	[tilespmem:$0xDA8] =	vst v0  }
0xdb: {  	[tilespmem:$0xDB8] =	vst v0  }
0xdc: {  	[tilespmem:$0xDC8] =	vst v0  }
0xdd: {  	[tilespmem:$0xDD8] =	vst v0  }
0xde: {  	[tilespmem:$0xDE8] =	vst v0  }
0xdf: {  	[tilespmem:$0xDF8] =	vst v0  }
0xe0: {  	[tilespmem:$0xE08] =	vst v0  }
0xe1: {  	[tilespmem:$0xE18] =	vst v0  }
0xe2: {  	[tilespmem:$0xE28] =	vst v0  }
0xe3: {  	[tilespmem:$0xE38] =	vst v0  }
0xe4: {  	[tilespmem:$0xE48] =	vst v0  }
0xe5: {  	[tilespmem:$0xE58] =	vst v0  }
0xe6: {  	[tilespmem:$0xE68] =	vst v0  }
0xe7: {  	[tilespmem:$0xE78] =	vst v0  }
0xe8: {  	[tilespmem:$0xE88] =	vst v0  }
0xe9: {  	[tilespmem:$0xE98] =	vst v0  }
0xea: {  	[tilespmem:$0xEA8] =	vst v0  }
0xeb: {  	[tilespmem:$0xEB8] =	vst v0  }
0xec: {  	[tilespmem:$0xEC8] =	vst v0  }
0xed: {  	[tilespmem:$0xED8] =	vst v0  }
0xee: {  	[tilespmem:$0xEE8] =	vst v0  }
0xef: {  	[tilespmem:$0xEF8] =	vst v0  }
0xf0: {  	[tilespmem:$0xF08] =	vst v0  }
0xf1: {  	[tilespmem:$0xF18] =	vst v0  }
0xf2: {  	[tilespmem:$0xF28] =	vst v0  }
0xf3: {  	[tilespmem:$0xF38] =	vst v0  }
0xf4: {  	[tilespmem:$0xF48] =	vst v0  }
0xf5: {  	[tilespmem:$0xF58] =	vst v0  }
0xf6: {  	[tilespmem:$0xF68] =	vst v0  }
0xf7: {  	[tilespmem:$0xF78] =	vst v0  }
0xf8: {  	[tilespmem:$0xF88] =	vst v0  }
0xf9: {  	[tilespmem:$0xF98] =	vst v0  }
0xfa: {  	[tilespmem:$0xFA8] =	vst v0  }
0xfb: {  	[tilespmem:$0xFB8] =	vst v0  }
0xfc: {  	[tilespmem:$0xFC8] =	vst v0  }
0xfd: {  	[tilespmem:$0xFD8] =	vst v0  }
0xfe: {  	[tilespmem:$0xFE8] =	vst v0  }
0xff: {  	[tilespmem:$0xFF8] =	vst v0  }
0x100: {  	[tilespmem:$0x1008] =	vst v0  }
0x101: {  	[tilespmem:$0x1018] =	vst v0  }
0x102: {  	[tilespmem:$0x1028] =	vst v0  }
0x103: {  	[tilespmem:$0x1038] =	vst v0  }
0x104: {  	[tilespmem:$0x1048] =	vst v0  }
0x105: {  	[tilespmem:$0x1058] =	vst v0  }
0x106: {  	[tilespmem:$0x1068] =	vst v0  }
0x107: {  	[tilespmem:$0x1078] =	vst v0  }
0x108: {  	[tilespmem:$0x1088] =	vst v0  }
0x109: {  	[tilespmem:$0x1098] =	vst v0  }
0x10a: {  	[tilespmem:$0x10A8] =	vst v0  }
0x10b: {  	[tilespmem:$0x10B8] =	vst v0  }
0x10c: {  	[tilespmem:$0x10C8] =	vst v0  }
0x10d: {  	[tilespmem:$0x10D8] =	vst v0  }
0x10e: {  	[tilespmem:$0x10E8] =	vst v0  }
0x10f: {  	[tilespmem:$0x10F8] =	vst v0  }
0x110: {  	[tilespmem:$0x1108] =	vst v0  }
0x111: {  	[tilespmem:$0x1118] =	vst v0  }
0x112: {  	[tilespmem:$0x1128] =	vst v0  }
0x113: {  	[tilespmem:$0x1138] =	vst v0  }
0x114: {  	[tilespmem:$0x1148] =	vst v0  }
0x115: {  	[tilespmem:$0x1158] =	vst v0  }
0x116: {  	[tilespmem:$0x1168] =	vst v0  }
0x117: {  	[tilespmem:$0x1178] =	vst v0  }
0x118: {  	[tilespmem:$0x1188] =	vst v0  }
0x119: {  	[tilespmem:$0x1198] =	vst v0  }
0x11a: {  	[tilespmem:$0x11A8] =	vst v0  }
0x11b: {  	[tilespmem:$0x11B8] =	vst v0  }
0x11c: {  	[tilespmem:$0x11C8] =	vst v0  }
0x11d: {  	[tilespmem:$0x11D8] =	vst v0  }
0x11e: {  	[tilespmem:$0x11E8] =	vst v0  }
0x11f: {  	[tilespmem:$0x11F8] =	vst v0  }
0x120: {  	[tilespmem:$0x1208] =	vst v0  }
0x121: {  	[tilespmem:$0x1218] =	vst v0  }
0x122: {  	[tilespmem:$0x1228] =	vst v0  }
0x123: {  	[tilespmem:$0x1238] =	vst v0  }
0x124: {  	[tilespmem:$0x1248] =	vst v0  }
0x125: {  	[tilespmem:$0x1258] =	vst v0  }
0x126: {  	[tilespmem:$0x1268] =	vst v0  }
0x127: {  	[tilespmem:$0x1278] =	vst v0  }
0x128: {  	[tilespmem:$0x1288] =	vst v0  }
0x129: {  	[tilespmem:$0x1298] =	vst v0  }
0x12a: {  	[tilespmem:$0x12A8] =	vst v0  }
0x12b: {  	[tilespmem:$0x12B8] =	vst v0  }
0x12c: {  	[tilespmem:$0x12C8] =	vst v0  }
0x12d: {  	[tilespmem:$0x12D8] =	vst v0  }
0x12e: {  	[tilespmem:$0x12E8] =	vst v0  }
0x12f: {  	[tilespmem:$0x12F8] =	vst v0  }
0x130: {  	[tilespmem:$0x1308] =	vst v0  }
0x131: {  	[tilespmem:$0x1318] =	vst v0  }
0x132: {  	[tilespmem:$0x1328] =	vst v0  }
0x133: {  	[tilespmem:$0x1338] =	vst v0  }
0x134: {  	[tilespmem:$0x1348] =	vst v0  }
0x135: {  	[tilespmem:$0x1358] =	vst v0  }
0x136: {  	[tilespmem:$0x1368] =	vst v0  }
0x137: {  	[tilespmem:$0x1378] =	vst v0  }
0x138: {  	[tilespmem:$0x1388] =	vst v0  }
0x139: {  	[tilespmem:$0x1398] =	vst v0  }
0x13a: {  	[tilespmem:$0x13A8] =	vst v0  }
0x13b: {  	[tilespmem:$0x13B8] =	vst v0  }
0x13c: {  	[tilespmem:$0x13C8] =	vst v0  }
0x13d: {  	[tilespmem:$0x13D8] =	vst v0  }
0x13e: {  	[tilespmem:$0x13E8] =	vst v0  }
0x13f: {  	[tilespmem:$0x13F8] =	vst v0  }
0x140: {  	[tilespmem:$0x1408] =	vst v0  }
0x141: {  	[tilespmem:$0x1418] =	vst v0  }
0x142: {  	[tilespmem:$0x1428] =	vst v0  }
0x143: {  	[tilespmem:$0x1438] =	vst v0  }
0x144: {  	[tilespmem:$0x1448] =	vst v0  }
0x145: {  	[tilespmem:$0x1458] =	vst v0  }
0x146: {  	[tilespmem:$0x1468] =	vst v0  }
0x147: {  	[tilespmem:$0x1478] =	vst v0  }
0x148: {  	[tilespmem:$0x1488] =	vst v0  }
0x149: {  	[tilespmem:$0x1498] =	vst v0  }
0x14a: {  	[tilespmem:$0x14A8] =	vst v0  }
0x14b: {  	[tilespmem:$0x14B8] =	vst v0  }
0x14c: {  	[tilespmem:$0x14C8] =	vst v0  }
0x14d: {  	[tilespmem:$0x14D8] =	vst v0  }
0x14e: {  	[tilespmem:$0x14E8] =	vst v0  }
0x14f: {  	[tilespmem:$0x14F8] =	vst v0  }
0x150: {  	[tilespmem:$0x1508] =	vst v0  }
0x151: {  	[tilespmem:$0x1518] =	vst v0  }
0x152: {  	[tilespmem:$0x1528] =	vst v0  }
0x153: {  	[tilespmem:$0x1538] =	vst v0  }
0x154: {  	[tilespmem:$0x1548] =	vst v0  }
0x155: {  	[tilespmem:$0x1558] =	vst v0  }
0x156: {  	[tilespmem:$0x1568] =	vst v0  }
0x157: {  	[tilespmem:$0x1578] =	vst v0  }
0x158: {  	[tilespmem:$0x1588] =	vst v0  }
0x159: {  	[tilespmem:$0x1598] =	vst v0  }
0x15a: {  	[tilespmem:$0x15A8] =	vst v0  }
0x15b: {  	[tilespmem:$0x15B8] =	vst v0  }
0x15c: {  	[tilespmem:$0x15C8] =	vst v0  }
0x15d: {  	[tilespmem:$0x15D8] =	vst v0  }
0x15e: {  	[tilespmem:$0x15E8] =	vst v0  }
0x15f: {  	[tilespmem:$0x15F8] =	vst v0  }
0x160: {  	[tilespmem:$0x1608] =	vst v0  }
0x161: {  	[tilespmem:$0x1618] =	vst v0  }
0x162: {  	[tilespmem:$0x1628] =	vst v0  }
0x163: {  	[tilespmem:$0x1638] =	vst v0  }
0x164: {  	[tilespmem:$0x1648] =	vst v0  }
0x165: {  	[tilespmem:$0x1658] =	vst v0  }
0x166: {  	[tilespmem:$0x1668] =	vst v0  }
0x167: {  	[tilespmem:$0x1678] =	vst v0  }
0x168: {  	[tilespmem:$0x1688] =	vst v0  }
0x169: {  	[tilespmem:$0x1698] =	vst v0  }
0x16a: {  	[tilespmem:$0x16A8] =	vst v0  }
0x16b: {  	[tilespmem:$0x16B8] =	vst v0  }
0x16c: {  	[tilespmem:$0x16C8] =	vst v0  }
0x16d: {  	[tilespmem:$0x16D8] =	vst v0  }
0x16e: {  	[tilespmem:$0x16E8] =	vst v0  }
0x16f: {  	[tilespmem:$0x16F8] =	vst v0  }
0x170: {  	[tilespmem:$0x1708] =	vst v0  }
0x171: {  	[tilespmem:$0x1718] =	vst v0  }
0x172: {  	[tilespmem:$0x1728] =	vst v0  }
0x173: {  	[tilespmem:$0x1738] =	vst v0  }
0x174: {  	[tilespmem:$0x1748] =	vst v0  }
0x175: {  	[tilespmem:$0x1758] =	vst v0  }
0x176: {  	[tilespmem:$0x1768] =	vst v0  }
0x177: {  	[tilespmem:$0x1778] =	vst v0  }
0x178: {  	[tilespmem:$0x1788] =	vst v0  }
0x179: {  	[tilespmem:$0x1798] =	vst v0  }
0x17a: {  	[tilespmem:$0x17A8] =	vst v0  }
0x17b: {  	[tilespmem:$0x17B8] =	vst v0  }
0x17c: {  	[tilespmem:$0x17C8] =	vst v0  }
0x17d: {  	[tilespmem:$0x17D8] =	vst v0  }
0x17e: {  	[tilespmem:$0x17E8] =	vst v0  }
0x17f: {  	[tilespmem:$0x17F8] =	vst v0  }
0x180: {  	[tilespmem:$0x1808] =	vst v0  }
0x181: {  	[tilespmem:$0x1818] =	vst v0  }
0x182: {  	[tilespmem:$0x1828] =	vst v0  }
0x183: {  	[tilespmem:$0x1838] =	vst v0  }
0x184: {  	[tilespmem:$0x1848] =	vst v0  }
0x185: {  	[tilespmem:$0x1858] =	vst v0  }
0x186: {  	[tilespmem:$0x1868] =	vst v0  }
0x187: {  	[tilespmem:$0x1878] =	vst v0  }
0x188: {  	[tilespmem:$0x1888] =	vst v0  }
0x189: {  	[tilespmem:$0x1898] =	vst v0  }
0x18a: {  	[tilespmem:$0x18A8] =	vst v0  }
0x18b: {  	[tilespmem:$0x18B8] =	vst v0  }
0x18c: {  	[tilespmem:$0x18C8] =	vst v0  }
0x18d: {  	[tilespmem:$0x18D8] =	vst v0  }
0x18e: {  	[tilespmem:$0x18E8] =	vst v0  }
0x18f: {  	[tilespmem:$0x18F8] =	vst v0  }
0x190: {  	[tilespmem:$0x1908] =	vst v0  }
0x191: {  	[tilespmem:$0x1918] =	vst v0  }
0x192: {  	[tilespmem:$0x1928] =	vst v0  }
0x193: {  	[tilespmem:$0x1938] =	vst v0  }
0x194: {  	[tilespmem:$0x1948] =	vst v0  }
0x195: {  	[tilespmem:$0x1958] =	vst v0  }
0x196: {  	[tilespmem:$0x1968] =	vst v0  }
0x197: {  	[tilespmem:$0x1978] =	vst v0  }
0x198: {  	[tilespmem:$0x1988] =	vst v0  }
0x199: {  	[tilespmem:$0x1998] =	vst v0  }
0x19a: {  	[tilespmem:$0x19A8] =	vst v0  }
0x19b: {  	[tilespmem:$0x19B8] =	vst v0  }
0x19c: {  	[tilespmem:$0x19C8] =	vst v0  }
0x19d: {  	[tilespmem:$0x19D8] =	vst v0  }
0x19e: {  	[tilespmem:$0x19E8] =	vst v0  }
0x19f: {  	[tilespmem:$0x19F8] =	vst v0  }
0x1a0: {  	[tilespmem:$0x1A08] =	vst v0  }
0x1a1: {  	[tilespmem:$0x1A18] =	vst v0  }
0x1a2: {  	[tilespmem:$0x1A28] =	vst v0  }
0x1a3: {  	[tilespmem:$0x1A38] =	vst v0  }
0x1a4: {  	[tilespmem:$0x1A48] =	vst v0  }
0x1a5: {  	[tilespmem:$0x1A58] =	vst v0  }
0x1a6: {  	[tilespmem:$0x1A68] =	vst v0  }
0x1a7: {  	[tilespmem:$0x1A78] =	vst v0  }
0x1a8: {  	[tilespmem:$0x1A88] =	vst v0  }
0x1a9: {  	[tilespmem:$0x1A98] =	vst v0  }
0x1aa: {  	[tilespmem:$0x1AA8] =	vst v0  }
0x1ab: {  	[tilespmem:$0x1AB8] =	vst v0  }
0x1ac: {  	[tilespmem:$0x1AC8] =	vst v0  }
0x1ad: {  	[tilespmem:$0x1AD8] =	vst v0  }
0x1ae: {  	[tilespmem:$0x1AE8] =	vst v0  }
0x1af: {  	[tilespmem:$0x1AF8] =	vst v0  }
0x1b0: {  	[tilespmem:$0x1B08] =	vst v0  }
0x1b1: {  	[tilespmem:$0x1B18] =	vst v0  }
0x1b2: {  	[tilespmem:$0x1B28] =	vst v0  }
0x1b3: {  	[tilespmem:$0x1B38] =	vst v0  }
0x1b4: {  	[tilespmem:$0x1B48] =	vst v0  }
0x1b5: {  	[tilespmem:$0x1B58] =	vst v0  }
0x1b6: {  	[tilespmem:$0x1B68] =	vst v0  }
0x1b7: {  	[tilespmem:$0x1B78] =	vst v0  }
0x1b8: {  	[tilespmem:$0x1B88] =	vst v0  }
0x1b9: {  	[tilespmem:$0x1B98] =	vst v0  }
0x1ba: {  	[tilespmem:$0x1BA8] =	vst v0  }
0x1bb: {  	[tilespmem:$0x1BB8] =	vst v0  }
0x1bc: {  	[tilespmem:$0x1BC8] =	vst v0  }
0x1bd: {  	[tilespmem:$0x1BD8] =	vst v0  }
0x1be: {  	[tilespmem:$0x1BE8] =	vst v0  }
0x1bf: {  	[tilespmem:$0x1BF8] =	vst v0  }
0x1c0: {  	[tilespmem:$0x1C08] =	vst v0  }
0x1c1: {  	[tilespmem:$0x1C18] =	vst v0  }
0x1c2: {  	[tilespmem:$0x1C28] =	vst v0  }
0x1c3: {  	[tilespmem:$0x1C38] =	vst v0  }
0x1c4: {  	[tilespmem:$0x1C48] =	vst v0  }
0x1c5: {  	[tilespmem:$0x1C58] =	vst v0  }
0x1c6: {  	[tilespmem:$0x1C68] =	vst v0  }
0x1c7: {  	[tilespmem:$0x1C78] =	vst v0  }
0x1c8: {  	[tilespmem:$0x1C88] =	vst v0  }
0x1c9: {  	[tilespmem:$0x1C98] =	vst v0  }
0x1ca: {  	[tilespmem:$0x1CA8] =	vst v0  }
0x1cb: {  	[tilespmem:$0x1CB8] =	vst v0  }
0x1cc: {  	[tilespmem:$0x1CC8] =	vst v0  }
0x1cd: {  	[tilespmem:$0x1CD8] =	vst v0  }
0x1ce: {  	[tilespmem:$0x1CE8] =	vst v0  }
0x1cf: {  	[tilespmem:$0x1CF8] =	vst v0  }
0x1d0: {  	[tilespmem:$0x1D08] =	vst v0  }
0x1d1: {  	[tilespmem:$0x1D18] =	vst v0  }
0x1d2: {  	[tilespmem:$0x1D28] =	vst v0  }
0x1d3: {  	[tilespmem:$0x1D38] =	vst v0  }
0x1d4: {  	[tilespmem:$0x1D48] =	vst v0  }
0x1d5: {  	[tilespmem:$0x1D58] =	vst v0  }
0x1d6: {  	[tilespmem:$0x1D68] =	vst v0  }
0x1d7: {  	[tilespmem:$0x1D78] =	vst v0  }
0x1d8: {  	[tilespmem:$0x1D88] =	vst v0  }
0x1d9: {  	[tilespmem:$0x1D98] =	vst v0  }
0x1da: {  	[tilespmem:$0x1DA8] =	vst v0  }
0x1db: {  	[tilespmem:$0x1DB8] =	vst v0  }
0x1dc: {  	[tilespmem:$0x1DC8] =	vst v0  }
0x1dd: {  	[tilespmem:$0x1DD8] =	vst v0  }
0x1de: {  	[tilespmem:$0x1DE8] =	vst v0  }
0x1df: {  	[tilespmem:$0x1DF8] =	vst v0  }
0x1e0: {  	[tilespmem:$0x1E08] =	vst v0  }
0x1e1: {  	[tilespmem:$0x1E18] =	vst v0  }
0x1e2: {  	[tilespmem:$0x1E28] =	vst v0  }
0x1e3: {  	[tilespmem:$0x1E38] =	vst v0  }
0x1e4: {  	[tilespmem:$0x1E48] =	vst v0  }
0x1e5: {  	[tilespmem:$0x1E58] =	vst v0  }
0x1e6: {  	[tilespmem:$0x1E68] =	vst v0  }
0x1e7: {  	[tilespmem:$0x1E78] =	vst v0  }
0x1e8: {  	[tilespmem:$0x1E88] =	vst v0  }
0x1e9: {  	[tilespmem:$0x1E98] =	vst v0  }
0x1ea: {  	[tilespmem:$0x1EA8] =	vst v0  }
0x1eb: {  	[tilespmem:$0x1EB8] =	vst v0  }
0x1ec: {  	[tilespmem:$0x1EC8] =	vst v0  }
0x1ed: {  	[tilespmem:$0x1ED8] =	vst v0  }
0x1ee: {  	[tilespmem:$0x1EE8] =	vst v0  }
0x1ef: {  	[tilespmem:$0x1EF8] =	vst v0  }
0x1f0: {  	[tilespmem:$0x1F08] =	vst v0  }
0x1f1: {  	[tilespmem:$0x1F18] =	vst v0  }
0x1f2: {  	[tilespmem:$0x1F28] =	vst v0  }
0x1f3: {  	[tilespmem:$0x1F38] =	vst v0  }
0x1f4: {  	[tilespmem:$0x1F48] =	vst v0  }
0x1f5: {  	[tilespmem:$0x1F58] =	vst v0  }
0x1f6: {  	[tilespmem:$0x1F68] =	vst v0  }
0x1f7: {  	[tilespmem:$0x1F78] =	vst v0  }
0x1f8: {  	[tilespmem:$0x1F88] =	vst v0  }
0x1f9: {  	[tilespmem:$0x1F98] =	vst v0  }
0x1fa: {  	[tilespmem:$0x1FA8] =	vst v0  }
0x1fb: {  	[tilespmem:$0x1FB8] =	vst v0  }
0x1fc: {  	[tilespmem:$0x1FC8] =	vst v0  }
0x1fd: {  	[tilespmem:$0x1FD8] =	vst v0  }
0x1fe: {  	[tilespmem:$0x1FE8] =	vst v0  }
0x1ff: {  	[tilespmem:$0x1FF8] =	vst v0  }
0x200: {  	[tilespmem:$0x2008] =	vst v0  }
0x201: {  	[tilespmem:$0x2018] =	vst v0  }
0x202: {  	[tilespmem:$0x2028] =	vst v0  }
0x203: {  	[tilespmem:$0x2038] =	vst v0  }
0x204: {  	[tilespmem:$0x2048] =	vst v0  }
0x205: {  	[tilespmem:$0x2058] =	vst v0  }
0x206: {  	[tilespmem:$0x2068] =	vst v0  }
0x207: {  	[tilespmem:$0x2078] =	vst v0  }
0x208: {  	[tilespmem:$0x2088] =	vst v0  }
0x209: {  	[tilespmem:$0x2098] =	vst v0  }
0x20a: {  	[tilespmem:$0x20A8] =	vst v0  }
0x20b: {  	[tilespmem:$0x20B8] =	vst v0  }
0x20c: {  	[tilespmem:$0x20C8] =	vst v0  }
0x20d: {  	[tilespmem:$0x20D8] =	vst v0  }
0x20e: {  	[tilespmem:$0x20E8] =	vst v0  }
0x20f: {  	[tilespmem:$0x20F8] =	vst v0  }
0x210: {  	[tilespmem:$0x2108] =	vst v0  }
0x211: {  	[tilespmem:$0x2118] =	vst v0  }
0x212: {  	[tilespmem:$0x2128] =	vst v0  }
0x213: {  	[tilespmem:$0x2138] =	vst v0  }
0x214: {  	[tilespmem:$0x2148] =	vst v0  }
0x215: {  	[tilespmem:$0x2158] =	vst v0  }
0x216: {  	[tilespmem:$0x2168] =	vst v0  }
0x217: {  	[tilespmem:$0x21E8] =	vst v0  }
0x218: {  	[tilespmem:$0x3058] =	vst v0  }
0x219: {  	[tilespmem:$0x3048] =	vst v0  }
0x21a: {  	[tilespmem:$0x3038] =	vst v0  }
0x21b: {  	[tilespmem:$0x3028] =	vst v0  }
0x21c: {  	[tilespmem:$0x3018] =	vst v0  }
0x21d: {  	[tilespmem:$0x3008] =	vst v0  }
0x21e: {  	[tilespmem:$0x2FF8] =	vst v0  }
0x21f: {  	[tilespmem:$0x2FE8] =	vst v0  }
0x220: {  	[tilespmem:$0x2FD8] =	vst v0  }
0x221: {  	[tilespmem:$0x2FC8] =	vst v0  }
0x222: {  	[tilespmem:$0x2FB8] =	vst v0  }
0x223: {  	[tilespmem:$0x2FA8] =	vst v0  }
0x224: {  	[tilespmem:$0x2F98] =	vst v0  }
0x225: {  	[tilespmem:$0x2F88] =	vst v0  }
0x226: {  	[tilespmem:$0x2F78] =	vst v0  }
0x227: {  	[tilespmem:$0x2F68] =	vst v0  }
0x228: {  	[tilespmem:$0x2F58] =	vst v0  }
0x229: {  	[tilespmem:$0x2F48] =	vst v0  }
0x22a: {  	[tilespmem:$0x2F38] =	vst v0  }
0x22b: {  	[tilespmem:$0x2F28] =	vst v0  }
0x22c: {  	[tilespmem:$0x2F18] =	vst v0  }
0x22d: {  	[tilespmem:$0x2F08] =	vst v0  }
0x22e: {  	[tilespmem:$0x2EF8] =	vst v0  }
0x22f: {  	[tilespmem:$0x2EE8] =	vst v0  }
0x230: {  	[tilespmem:$0x2ED8] =	vst v0  }
0x231: {  	[tilespmem:$0x2EC8] =	vst v0  }
0x232: {  	[tilespmem:$0x2EB8] =	vst v0  }
0x233: {  	[tilespmem:$0x2EA8] =	vst v0  }
0x234: {  	[tilespmem:$0x2E98] =	vst v0  }
0x235: {  	[tilespmem:$0x2E88] =	vst v0  }
0x236: {  	[tilespmem:$0x2E78] =	vst v0  }
0x237: {  	[tilespmem:$0x2E68] =	vst v0  }
0x238: {  	[tilespmem:$0x2E58] =	vst v0  }
0x239: {  	[tilespmem:$0x2E48] =	vst v0  }
0x23a: {  	[tilespmem:$0x2E38] =	vst v0  }
0x23b: {  	[tilespmem:$0x2E28] =	vst v0  }
0x23c: {  	[tilespmem:$0x2E18] =	vst v0  }
0x23d: {  	[tilespmem:$0x2E08] =	vst v0  }
0x23e: {  	[tilespmem:$0x2DF8] =	vst v0  }
0x23f: {  	[tilespmem:$0x2DE8] =	vst v0  }
0x240: {  	[tilespmem:$0x2DD8] =	vst v0  }
0x241: {  	[tilespmem:$0x2DC8] =	vst v0  }
0x242: {  	[tilespmem:$0x2DB8] =	vst v0  }
0x243: {  	[tilespmem:$0x2DA8] =	vst v0  }
0x244: {  	[tilespmem:$0x2D98] =	vst v0  }
0x245: {  	[tilespmem:$0x2D88] =	vst v0  }
0x246: {  	[tilespmem:$0x2D78] =	vst v0  }
0x247: {  	[tilespmem:$0x2D68] =	vst v0  }
0x248: {  	[tilespmem:$0x2D58] =	vst v0  }
0x249: {  	[tilespmem:$0x2D48] =	vst v0  }
0x24a: {  	[tilespmem:$0x2D38] =	vst v0  }
0x24b: {  	[tilespmem:$0x2D28] =	vst v0  }
0x24c: {  	[tilespmem:$0x2D18] =	vst v0  }
0x24d: {  	[tilespmem:$0x2D08] =	vst v0  }
0x24e: {  	[tilespmem:$0x2CF8] =	vst v0  }
0x24f: {  	[tilespmem:$0x2CE8] =	vst v0  }
0x250: {  	[tilespmem:$0x2CD8] =	vst v0  }
0x251: {  	[tilespmem:$0x2CC8] =	vst v0  }
0x252: {  	[tilespmem:$0x2CB8] =	vst v0  }
0x253: {  	[tilespmem:$0x2CA8] =	vst v0  }
0x254: {  	[tilespmem:$0x2C98] =	vst v0  }
0x255: {  	[tilespmem:$0x2C88] =	vst v0  }
0x256: {  	[tilespmem:$0x2C78] =	vst v0  }
0x257: {  	[tilespmem:$0x2C68] =	vst v0  }
0x258: {  	[tilespmem:$0x2C58] =	vst v0  }
0x259: {  	[tilespmem:$0x2C48] =	vst v0  }
0x25a: {  	[tilespmem:$0x2C38] =	vst v0  }
0x25b: {  	[tilespmem:$0x2C28] =	vst v0  }
0x25c: {  	[tilespmem:$0x2C18] =	vst v0  }
0x25d: {  	[tilespmem:$0x2C08] =	vst v0  }
0x25e: {  	[tilespmem:$0x2BF8] =	vst v0  }
0x25f: {  	[tilespmem:$0x2BE8] =	vst v0  }
0x260: {  	[tilespmem:$0x2BD8] =	vst v0  }
0x261: {  	[tilespmem:$0x2BC8] =	vst v0  }
0x262: {  	[tilespmem:$0x2BB8] =	vst v0  }
0x263: {  	[tilespmem:$0x2BA8] =	vst v0  }
0x264: {  	[tilespmem:$0x2B98] =	vst v0  }
0x265: {  	[tilespmem:$0x2B88] =	vst v0  }
0x266: {  	[tilespmem:$0x2B78] =	vst v0  }
0x267: {  	[tilespmem:$0x2B68] =	vst v0  }
0x268: {  	[tilespmem:$0x2B58] =	vst v0  }
0x269: {  	[tilespmem:$0x2B48] =	vst v0  }
0x26a: {  	[tilespmem:$0x2B38] =	vst v0  }
0x26b: {  	[tilespmem:$0x2B28] =	vst v0  }
0x26c: {  	[tilespmem:$0x2B18] =	vst v0  }
0x26d: {  	[tilespmem:$0x2B08] =	vst v0  }
0x26e: {  	[tilespmem:$0x2AF8] =	vst v0  }
0x26f: {  	[tilespmem:$0x2AE8] =	vst v0  }
0x270: {  	[tilespmem:$0x2AD8] =	vst v0  }
0x271: {  	[tilespmem:$0x2AC8] =	vst v0  }
0x272: {  	[tilespmem:$0x2AB8] =	vst v0  }
0x273: {  	[tilespmem:$0x2AA8] =	vst v0  }
0x274: {  	[tilespmem:$0x2A98] =	vst v0  }
0x275: {  	[tilespmem:$0x2A88] =	vst v0  }
0x276: {  	[tilespmem:$0x2A78] =	vst v0  }
0x277: {  	[tilespmem:$0x2A68] =	vst v0  }
0x278: {  	[tilespmem:$0x2A58] =	vst v0  }
0x279: {  	[tilespmem:$0x2A48] =	vst v0  }
0x27a: {  	[tilespmem:$0x2A38] =	vst v0  }
0x27b: {  	[tilespmem:$0x2A28] =	vst v0  }
0x27c: {  	[tilespmem:$0x2A18] =	vst v0  }
0x27d: {  	[tilespmem:$0x2A08] =	vst v0  }
0x27e: {  	[tilespmem:$0x29F8] =	vst v0  }
0x27f: {  	[tilespmem:$0x29E8] =	vst v0  }
0x280: {  	[tilespmem:$0x29D8] =	vst v0  }
0x281: {  	[tilespmem:$0x29C8] =	vst v0  }
0x282: {  	[tilespmem:$0x29B8] =	vst v0  }
0x283: {  	[tilespmem:$0x29A8] =	vst v0  }
0x284: {  	[tilespmem:$0x2998] =	vst v0  }
0x285: {  	[tilespmem:$0x2988] =	vst v0  }
0x286: {  	[tilespmem:$0x2978] =	vst v0  }
0x287: {  	[tilespmem:$0x2968] =	vst v0  }
0x288: {  	[tilespmem:$0x2958] =	vst v0  }
0x289: {  	[tilespmem:$0x2948] =	vst v0  }
0x28a: {  	[tilespmem:$0x2938] =	vst v0  }
0x28b: {  	[tilespmem:$0x2928] =	vst v0  }
0x28c: {  	[tilespmem:$0x2918] =	vst v0  }
0x28d: {  	[tilespmem:$0x2908] =	vst v0  }
0x28e: {  	[tilespmem:$0x28F8] =	vst v0  }
0x28f: {  	[tilespmem:$0x28E8] =	vst v0  }
0x290: {  	[tilespmem:$0x28D8] =	vst v0  }
0x291: {  	[tilespmem:$0x28C8] =	vst v0  }
0x292: {  	[tilespmem:$0x28B8] =	vst v0  }
0x293: {  	[tilespmem:$0x28A8] =	vst v0  }
0x294: {  	[tilespmem:$0x2898] =	vst v0  }
0x295: {  	[tilespmem:$0x2888] =	vst v0  }
0x296: {  	[tilespmem:$0x2878] =	vst v0  }
0x297: {  	[tilespmem:$0x2868] =	vst v0  }
0x298: {  	[tilespmem:$0x2858] =	vst v0  }
0x299: {  	[tilespmem:$0x2848] =	vst v0  }
0x29a: {  	[tilespmem:$0x2838] =	vst v0  }
0x29b: {  	[tilespmem:$0x2828] =	vst v0  }
0x29c: {  	[tilespmem:$0x2818] =	vst v0  }
0x29d: {  	[tilespmem:$0x2808] =	vst v0  }
0x29e: {  	[tilespmem:$0x27F8] =	vst v0  }
0x29f: {  	[tilespmem:$0x27E8] =	vst v0  }
0x2a0: {  	[tilespmem:$0x27D8] =	vst v0  }
0x2a1: {  	[tilespmem:$0x27C8] =	vst v0  }
0x2a2: {  	[tilespmem:$0x27B8] =	vst v0  }
0x2a3: {  	[tilespmem:$0x27A8] =	vst v0  }
0x2a4: {  	[tilespmem:$0x2798] =	vst v0  }
0x2a5: {  	[tilespmem:$0x2788] =	vst v0  }
0x2a6: {  	[tilespmem:$0x2778] =	vst v0  }
0x2a7: {  	[tilespmem:$0x2768] =	vst v0  }
0x2a8: {  	[tilespmem:$0x2758] =	vst v0  }
0x2a9: {  	[tilespmem:$0x2748] =	vst v0  }
0x2aa: {  	[tilespmem:$0x2738] =	vst v0  }
0x2ab: {  	[tilespmem:$0x2728] =	vst v0  }
0x2ac: {  	[tilespmem:$0x2718] =	vst v0  }
0x2ad: {  	[tilespmem:$0x2708] =	vst v0  }
0x2ae: {  	[tilespmem:$0x26F8] =	vst v0  }
0x2af: {  	[tilespmem:$0x26E8] =	vst v0  }
0x2b0: {  	[tilespmem:$0x26D8] =	vst v0  }
0x2b1: {  	[tilespmem:$0x26C8] =	vst v0  }
0x2b2: {  	[tilespmem:$0x26B8] =	vst v0  }
0x2b3: {  	[tilespmem:$0x26A8] =	vst v0  }
0x2b4: {  	[tilespmem:$0x2698] =	vst v0  }
0x2b5: {  	[tilespmem:$0x2688] =	vst v0  }
0x2b6: {  	[tilespmem:$0x2678] =	vst v0  }
0x2b7: {  	[tilespmem:$0x2668] =	vst v0  }
0x2b8: {  	[tilespmem:$0x2658] =	vst v0  }
0x2b9: {  	[tilespmem:$0x2648] =	vst v0  }
0x2ba: {  	[tilespmem:$0x2638] =	vst v0  }
0x2bb: {  	[tilespmem:$0x2628] =	vst v0  }
0x2bc: {  	[tilespmem:$0x2618] =	vst v0  }
0x2bd: {  	[tilespmem:$0x2608] =	vst v0  }
0x2be: {  	[tilespmem:$0x25F8] =	vst v0  }
0x2bf: {  	[tilespmem:$0x25E8] =	vst v0  }
0x2c0: {  	[tilespmem:$0x25D8] =	vst v0  }
0x2c1: {  	[tilespmem:$0x25C8] =	vst v0  }
0x2c2: {  	[tilespmem:$0x25B8] =	vst v0  }
0x2c3: {  	[tilespmem:$0x25A8] =	vst v0  }
0x2c4: {  	[tilespmem:$0x2598] =	vst v0  }
0x2c5: {  	[tilespmem:$0x2588] =	vst v0  }
0x2c6: {  	[tilespmem:$0x2578] =	vst v0  }
0x2c7: {  	[tilespmem:$0x2568] =	vst v0  }
0x2c8: {  	[tilespmem:$0x2558] =	vst v0  }
0x2c9: {  	[tilespmem:$0x2548] =	vst v0  }
0x2ca: {  	[tilespmem:$0x2538] =	vst v0  }
0x2cb: {  	[tilespmem:$0x2528] =	vst v0  }
0x2cc: {  	[tilespmem:$0x2518] =	vst v0  }
0x2cd: {  	[tilespmem:$0x2508] =	vst v0  }
0x2ce: {  	[tilespmem:$0x24F8] =	vst v0  }
0x2cf: {  	[tilespmem:$0x24E8] =	vst v0  }
0x2d0: {  	[tilespmem:$0x24D8] =	vst v0  }
0x2d1: {  	[tilespmem:$0x24C8] =	vst v0  }
0x2d2: {  	[tilespmem:$0x24B8] =	vst v0  }
0x2d3: {  	[tilespmem:$0x24A8] =	vst v0  }
0x2d4: {  	[tilespmem:$0x2498] =	vst v0  }
0x2d5: {  	[tilespmem:$0x2488] =	vst v0  }
0x2d6: {  	[tilespmem:$0x2478] =	vst v0  }
0x2d7: {  	[tilespmem:$0x2468] =	vst v0  }
0x2d8: {  	[tilespmem:$0x2458] =	vst v0  }
0x2d9: {  	[tilespmem:$0x2448] =	vst v0  }
0x2da: {  	[tilespmem:$0x2438] =	vst v0  }
0x2db: {  	[tilespmem:$0x2428] =	vst v0  }
0x2dc: {  	[tilespmem:$0x2418] =	vst v0  }
0x2dd: {  	[tilespmem:$0x2408] =	vst v0  }
0x2de: {  	[tilespmem:$0x23F8] =	vst v0  }
0x2df: {  	[tilespmem:$0x23E8] =	vst v0  }
0x2e0: {  	[tilespmem:$0x23D8] =	vst v0  }
0x2e1: {  	[tilespmem:$0x23C8] =	vst v0  }
0x2e2: {  	[tilespmem:$0x23B8] =	vst v0  }
0x2e3: {  	[tilespmem:$0x23A8] =	vst v0  }
0x2e4: {  	[tilespmem:$0x2398] =	vst v0  }
0x2e5: {  	[tilespmem:$0x2388] =	vst v0  }
0x2e6: {  	[tilespmem:$0x2378] =	vst v0  }
0x2e7: {  	[tilespmem:$0x2368] =	vst v0  }
0x2e8: {  	[tilespmem:$0x2358] =	vst v0  }
0x2e9: {  	[tilespmem:$0x2348] =	vst v0  }
0x2ea: {  	[tilespmem:$0x2338] =	vst v0  }
0x2eb: {  	[tilespmem:$0x2328] =	vst v0  }
0x2ec: {  	[tilespmem:$0x2318] =	vst v0  }
0x2ed: {  	[tilespmem:$0x2308] =	vst v0  }
0x2ee: {  	[tilespmem:$0x22F8] =	vst v0  }
0x2ef: {  	[tilespmem:$0x22E8] =	vst v0  }
0x2f0: {  	[tilespmem:$0x22D8] =	vst v0  }
0x2f1: {  	[tilespmem:$0x22C8] =	vst v0  }
0x2f2: {  	[tilespmem:$0x22B8] =	vst v0  }
0x2f3: {  	[tilespmem:$0x22A8] =	vst v0  }
0x2f4: {  	[tilespmem:$0x2298] =	vst v0  }
0x2f5: {  	[tilespmem:$0x2288] =	vst v0  }
0x2f6: {  	[tilespmem:$0x2278] =	vst v0  }
0x2f7: {  	[tilespmem:$0x2268] =	vst v0  }
0x2f8: {  	[tilespmem:$0x2258] =	vst v0  }
0x2f9: {  	[tilespmem:$0x2248] =	vst v0  }
0x2fa: {  	s9 =	stileid.u32;
	[tilespmem:$0x2238] =	vst v0  }
0x2fb: {  	s0 =	simm.s32 $0x2D00;
	s6 =	smul.u32 $0x2E80, s9;
	p0 =	seq.s32 s9, $0xF;
	[tilespmem:$0x2228] =	vst v0  }
0x2fc: {  	s0 =	simm.s32 @!p0 $0x2E80;
	[tilespmem:$0x2218] =	vst v0  }
0x2fd: {  	[tilespmem:$0x2208] =	vst v0;
	s0 =	sadd.s32 s6, s0  }
0x2fe: {  	[tilespmem:$0x21F8] =	vst v0;
	s7 =	smin.u32 s0, $0x2E630  }
0x2ff: {  	[tilespmem:$0x2188] =	vst v0;
	s0 =	ssub.s32 s7, s6  }
0x300: {  	s4 =	simm.s32 $0x2;
	s11 =	simm.s32 $0x7;
	[tilespmem:$0x21D8] =	vst v0;
	p0 =	sgt.s32 s0, $0x0  }
0x301: {  	s31 =	simm.s32 $0x8;
	s15 =	simm.s32 $0x0;
	[tilespmem:$0x21C8] =	vst v0;
	s0 =	simm.s32 @!p0 $0x0  }
0x302: {  	p1 =	por $0x0, $0x0;
	s16 =	simm.s32 $0xA;
	[tilespmem:$0x21B8] =	vst v0;
	s1 =	smulhi.u32 $0xAAAAAB, s0  }
0x303: {  	s20 =	simm.s32 $0x0;
	s17 =	simm.s32 $0x0;
	s19 =	simm.s32 $0x0;
	[tilespmem:$0x21A8] =	vst v0  }
0x304: {  	s10 =	sadd.s32 $0xC46000, s3;
	s13 =	sshll.u32 s9, $0x6;
	[tilespmem:$0x2198] =	vst v0;
	s5 =	smul.u32 $0x180, s1  }
.Ltmp0:
0x305: {  	[tilespmem:$0x2178] =	vst v0;
	[sflag:s4] =	ssyncpa.u1 $0x0;
	s4 =	sadd.s32 $0x2A4B600, s3;
	(pc) =	sbr.rel .LBB2_1-.Ltmp0, $4  }
0x306: {  	v0 =	vimm.s32 $0xFFFFFFFF;
	s3 =	sadd.s32 $0x2A25800, s3;
	p0 =	sne.s32 s0, s5;
	s0 =	simm.s32 $0x1  }
0x307: {  	[tilespmem:$0x6088] =	vst v0;
	[sflag:s11] =	ssyncpa.u1 $0x0;
	s11 =	simm.s32 $0x9;
	s0 =	simm.s32 @!p0 $0x0  }
0x308: {  	s18 =	smov.u32 s6;
	[sflag:s31] =	ssyncpa.u1 $0x0;
	s12 =	sadd.s32 s0, s1  }
0x309: {  	v0 =	vlaneseq.u32;
	[sflag:s11] =	ssyncpa.u1 $0x0;
	p0 =	por $0x1, $0x1;
	s14 =	sadd.s32 $0x1, s12  }
.LBB2_22:
0x30a: {  	s0 =	sshrl.u32 s29, $0x2  }
.LBB2_24:
0x30b: {  	_ =	swait.ge [sflag:s16], s0  }
0x30c: {  	s31 =	ssub.s32 $0x0, s0;
	v1 =	vmov s22;
	vm0 =	veq.s32 v0, $0x0;
	[sflag:s16] =	ssyncset.done $0x0  }
0x30d: {  	vm15 =	veq.s32 v0, $0x2;
	v1 =	vsel vm0, s28, v1;
	[sflag:s16] =	ssyncadd.s32 s31  }
0x30e: {  	v1 =	vsel vm15, s20, v1;
	[sflag:s16] =	ssyncpa.u1 $0x1  }
0x30f: {  	[tilespmem:$0x6088] =	vst v1  }
.LBB2_25:
0x310: {  	s0 =	sadd.s32 $0x180, s18  }
0x311: {  	s1 =	smov.u32 s6;
	p2 =	slt.s32 s0, s7  }
0x312: {  	s1 =	smov.u32 @p2 s0;
	p2 =	sne.s32 s19, s14  }
.Ltmp1:
0x313: {  	_ = 	snop;
	(pc) =	sbr.rel @!p2 .LBB2_26-.Ltmp1, $4  }
0x314: {  	_ = 	snop  }
0x315: {  	s20 =	smov.u32 s17  }
0x316: {  	s31 =	sadd.s32 $0x1, s19;
	s17 =	smov.u32 s18;
	p0 =	por !p0, !p0  }
0x317: {  	p1 =	por !p1, !p1;
	s19 =	smov.u32 s31;
	s18 =	smov.u32 s1  }
.LBB2_1:
0x318: {  	p2 =	sge.u32 s19, s12  }
0x319: {  	s0 =	smulhi.u32 @!p2 $0xAAAAAAAB, s19  }
0x31a: {  	s1 =	smov.u32 s18;
	p3 =	sgt.s32 @!p2 s18, $0x2E4B0  }
0x31b: {  	s5 =	sshra.s32 @!p2 s18, $0x1F;
	p3 =	por !p3, p2;
	s0 =	sshrl.u32 @!p2 s0, $0x1  }
0x31c: {  	s5 =	sand.u32 @!p2 s5, s18;
	s1 =	simm.s32 @p3 $0x2E4B0;
	s0 =	smul.u32 @!p2 $0x3, s0  }
0x31d: {  	s1 =	ssub.s32 @!p2 s1, s5  }
0x31e: {  	s22 =	sadd.s32 $0xFFFFFFFF, s19;
	s1 =	sadd.s32 @!p2 $0xFFFD1B50, s1;
	s0 =	ssub.s32 @!p2 s19, s0  }
0x31f: {  	s5 =	sshll.u32 @!p2 s1, $0x2;
	p3 =	sgt.s32 @!p2 s1, $0x17F;
	s0 =	smul.u32 @!p2 $0x600, s0  }
0x320: {  	s21 =	sand.u32 @!p2 $0x7, s18;
	s1 =	ssub.s32 @!p2 $0x600, s5;
	p3 =	por !p3, p2  }
0x321: {  	s5 =	sshrl.u32 @!p2 s18, $0x3;
	s1 =	sshrl.u32 @!p2 s1, $0x2;
	s0 =	sshrl.u32 @!p2 s0, $0x2  }
0x322: {  	s5 =	sadd.s32 @!p2 s3, s5;
	s1 =	simm.s32 @!p3 $0x0;
	s0 =	sadd.s32 @!p2 $0x64B8, s0  }
0x323: {  	[tilespmem:s0], [sflag:$0x8] =	stream.linear.gather @!p2 [hbm4b:s5+s21], s1, $0x38;
	[tilespmem:$0x1EC38] =	vst v63  }
0x324: {  	p2 =	sge.u32 s22, s12  }
0x325: {  	p3 =	sgt.s32 @!p2 s17, $0x2E4B0  }
0x326: {  	s0 =	smov.u32 s17;
	s1 =	sshra.s32 @!p2 s17, $0x1F;
	p3 =	por !p3, p2  }
0x327: {  	s1 =	sand.u32 @!p2 s1, s17;
	s0 =	simm.s32 @p3 $0x2E4B0  }
0x328: {  	s0 =	ssub.s32 @!p2 s0, s1  }
0x329: {  	s0 =	sadd.s32 @!p2 $0xFFFD1B50, s0  }
0x32a: {  	s1 =	sshll.u32 @!p2 s0, $0x2  }
0x32b: {  	p3 =	sgt.s32 @!p2 s0, $0x17F;
	s0 =	ssub.s32 @!p2 $0x600, s1  }
0x32c: {  	p3 =	por !p3, p2;
	s0 =	sshrl.u32 @!p2 s0, $0x2  }
0x32d: {  	s5 =	simm.s32 @!p2 $0x8;
	s1 =	sand.u32 @!p2 $0x1, s22;
	s0 =	simm.s32 @!p3 $0x0  }
0x32e: {  	s1 =	smul.u32 @!p2 $0x600, s1;
	_ =	swait.ge @!p2 [sflag:s5], s0  }
0x32f: {  	s21 =	ssub.s32 @!p2 $0x0, s0;
	[sflag:s5] =	ssyncset.done @!p2 $0x0  }
0x330: {  	s1 =	sshrl.u32 @!p2 s1, $0x2;
	[sflag:s5] =	ssyncadd.s32 @!p2 s21;
	s5 =	sshrl.u32 @!p2 s17, $0x3  }
0x331: {  	s1 =	sadd.s32 @!p2 $0x6938, s1;
	s21 =	sand.u32 @!p2 $0x7, s17;
	s5 =	sadd.s32 @!p2 s8, s5  }
0x332: {  	[tilespmem:s1], [sflag:$0x9] =	stream.linear.gather @!p2 [hbm4b:s5+s21], s0, $0x38;
	[tilespmem:$0x1EC38] =	vst v63  }
0x333: {  	s21 =	ssub.s32 @!p2 $0x2E630, s17  }
0x334: {  	p3 =	slt.s32 @!p2 s21, $0x1  }
0x335: {  	p3 =	por p2, p3  }
.Ltmp2:
0x336: {  	_ = 	snop;
	(pc) =	sbr.rel @p3 .LBB2_7-.Ltmp2, $1  }
0x337: {  	_ =	sdelay $0x3  }
0x338: {  	s0 =	smulhi.u32 $0xAAAAAAAB, s22;
	_ =	sdelay $0x1  }
0x339: {  	s0 =	sshrl.u32 s0, $0x1  }
0x33a: {  	s0 =	smul.u32 $0x3, s0;
	_ =	sdelay $0x1  }
0x33b: {  	s0 =	ssub.s32 s22, s0  }
0x33c: {  	s1 =	simm.s32 $0x1;
	s0 =	smul.u32 $0x600, s0  }
.Ltmp3:
0x33d: {  	s1 =	simm.s32 @!p0 $0x0;
	(pc) =	sbr.rel .LBB2_4-.Ltmp3, $4  }
0x33e: {  	s1 =	smul.u32 $0x30000, s1  }
0x33f: {  	p3 =	slt.s32 @!p2 s21, $0x180;
	s0 =	sshrl.u32 s0, $0x2  }
0x340: {  	p2 =	por !p3, p2;
	s1 =	sshrl.u32 s1, $0x2;
	s0 =	sadd.s32 $0x64B8, s0  }
0x341: {  	s23 =	simm.s32 $0x0;
	s21 =	simm.s32 @p2 $0x180;
	s22 =	sadd.s32 $0x6C38, s1;
	v1 =	vmov s0  }
.LBB2_3:
0x342: {  	p2 =	sge.s32 s23, s21  }
.Ltmp4:
0x343: {  	_ = 	snop;
	(pc) =	sbr.rel @p2 .LBB2_7-.Ltmp4, $2  }
0x344: {  	_ =	sdelay $0x2  }
0x345: {  	s22 =	sadd.s32 $0x800, s22  }
.LBB2_4:
0x346: {  	p2 =	sle.s32 s21, s23  }
.Ltmp5:
0x347: {  	_ = 	snop;
	(pc) =	sbr.rel @p2 .LBB2_3-.Ltmp5, $2  }
0x348: {  	_ =	sdelay $0x2  }
0x349: {  	s24 =	smov.u32 s23;
	s23 =	sadd.s32 $0x10, s23  }
0x34a: {  	s0 =	ssub.s32 s21, s24  }
0x34b: {  	p2 =	slt.s32 s0, $0x10  }
0x34c: {  	s0 =	simm.s32 @!p2 $0x10  }
0x34d: {  	v2 =	vmov s0  }
0x34e: {  	vm0 =	vgt.s32 v2, v0;
	_ =	sdelay $0x5  }
0x34f: {  	v2 =	vld.idx.msk [tilespmem:v1+s24+$0x0 ss:$0x1], vm0;
	_ =	sdelay $0x2  }
0x350: {  	p2 =	slt.s32 s23, s21;
	s0 =	smov.u32 s21  }
0x351: {  	s5 =	smov.u32 s22;
	s25 =	simm.s32 $0x0;
	s0 =	smov.u32 @p2 s23  }
.LBB2_6:
0x352: {  	(v2sf) =	vpush v2, s25;
	_ =	sdelay $0xc  }
0x353: {  	s25 =	sadd.s32 $0x1, s25  }
0x354: {  	s31 =	sadd.s32 s25, s24  }
0x355: {  	p2 =	slt.s32 s31, s0;
	s1 =	spop (v2sf)  }
.Ltmp6:
0x356: {  	s1 =	sshll.u32 s1, $0x4;
	(pc) =	sbr.rel @p2 .LBB2_6-.Ltmp6, $4  }
0x357: {  	s1 =	sand.u32 $0x1FFFFFF0, s1  }
0x358: {  	s1 =	sadd.s32 s10, s1  }
0x359: {  	[tilespmem:s5], [sflag:$0x7] =	stream.linear.gather [hbm4b:s1+s15], $0x20, $0x38;
	[tilespmem:$0x1EC38] =	vst v63  }
0x35a: {  	s5 =	sadd.s32 $0x80, s5  }
.Ltmp7:
0x35b: {  	_ = 	snop;
	(pc) =	sbr.rel .LBB2_3-.Ltmp7, $1  }
0x35c: {  	_ =	sdelay $0x3  }
.LBB2_7:
0x35d: {  	p2 =	slt.u32 s19, $0x2  }
.Ltmp8:
0x35e: {  	_ = 	snop;
	(pc) =	sbr.rel @p2 .LBB2_25-.Ltmp8, $1  }
0x35f: {  	_ =	sdelay $0x3  }
0x360: {  	p2 =	sgt.s32 s20, $0x2E4B0;
	s0 =	smov.u32 s20  }
0x361: {  	s1 =	sshra.s32 s20, $0x1F;
	s5 =	ssub.s32 $0x2E630, s20;
	s0 =	simm.s32 @!p2 $0x2E4B0  }
0x362: {  	s1 =	sand.u32 s1, s20;
	p2 =	slt.s32 s5, $0x180;
	s21 =	smov.u32 s5  }
0x363: {  	s0 =	ssub.s32 s0, s1;
	s21 =	simm.s32 @!p2 $0x180  }
0x364: {  	s0 =	sadd.s32 $0xFFFD1B50, s0;
	s26 =	sshll.u32 s21, $0x5  }
0x365: {  	s9 =	simm.s32 $0x7;
	s29 =	sshll.u32 s0, $0x2;
	s1 =	sand.u32 $0x3FFFFFE0, s26  }
0x366: {  	p2 =	sgt.s32 s0, $0x17F;
	s30 =	ssub.s32 $0x600, s29;
	_ =	swait.ge [sflag:s9], s1  }
0x367: {  	s1 =	ssub.s32 $0x0, s1;
	[sflag:s9] =	ssyncset.done $0x0;
	s0 =	sshrl.u32 s30, $0x2  }
0x368: {  	[sflag:s9] =	ssyncadd.s32 s1;
	s0 =	simm.s32 @p2 $0x0  }
0x369: {  	_ =	swait.ge [sflag:s11], s0  }
0x36a: {  	s0 =	ssub.s32 $0x0, s0;
	[sflag:s11] =	ssyncset.done $0x0  }
0x36b: {  	[sflag:s11] =	ssyncadd.s32 s0  }
0x36c: {  	v1 =	vld [tilespmem:$0x6088];
	_ =	sdelay $0x4  }
0x36d: {  	(v2sf) =	vpush v1, $0x0  }
0x36e: {  	(v2sf) =	vpush v1, $0x1  }
0x36f: {  	(v2sf) =	vpush v1, $0x2;
	_ =	sdelay $0x3  }
0x370: {  	s0 =	sadd.s32 $0x180, s20  }
0x371: {  	p2 =	slt.s32 s7, s0  }
0x372: {  	s0 =	smov.u32 @p2 s7;
	p2 =	sgt.s32 s5, $0x0  }
0x373: {  	s24 =	ssub.s32 s0, s20;
	s5 =	simm.s32 @!p2 $0x0  }
0x374: {  	p2 =	slt.s32 s5, s24  }
0x375: {  	s24 =	smov.u32 @p2 s5  }
0x376: {  	s23 =	simm.s32 $0x1;
	p2 =	slt.s32 s24, $0x1  }
.Ltmp9:
0x377: {  	s23 =	simm.s32 @!p1 $0x0;
	(pc) =	sbr.rel @p2 .LBB2_12-.Ltmp9, $4  }
0x378: {  	s31 =	smul.u32 $0x600, s23  }
0x379: {  	s25 =	spop (v2sf)  }
0x37a: {  	s0 =	sshrl.u32 s31, $0x2;
	s28 =	spop (v2sf)  }
0x37b: {  	s21 =	sadd.s32 $0x6938, s0;
	s20 =	spop (v2sf)  }
0x37c: {  	s0 =	smin.u32 s24, $0x10  }
0x37d: {  	v1 =	vmov s0  }
0x37e: {  	p3 =	sgt.s32 s24, $0x10;
	vm1 =	vgt.u32 v1, v0  }
.Ltmp10:
0x37f: {  	_ = 	snop;
	(pc) =	sbr.rel @!p3 .LBB2_11-.Ltmp10, $2  }
0x380: {  	_ =	sdelay $0x2  }
0x381: {  	s26 =	simm.s32 $0x10;
	s29 =	sadd.s32 $0xFFFFFFF0, s24;
	s22 =	smov.u32 s21;
	vm0 =	vmmov vm1  }
.LBB2_10:
0x382: {  	s0 =	smin.u32 s29, $0x10;
	s26 =	sadd.s32 $0x10, s26;
	v1 =	vld.msk [tilespmem:s22+$0x0 ss:$0x1], vm1  }
0x383: {  	v2 =	vmov s0;
	p3 =	slt.s32 s26, s24  }
0x384: {  	vm1 =	vgt.u32 v2, v0  }
.Ltmp11:
0x385: {  	(pc) =	sbr.rel @p3 .LBB2_10-.Ltmp11, $3  }
0x386: {  	_ =	sdelay $0x1  }
0x387: {  	v1 =	vshll.u32 v1, $0x4  }
0x388: {  	s29 =	sadd.s32 $0xFFFFFFF0, s29;
	[tilespmem:s22+$0x0] =	vst.msk vm0, v1;
	s22 =	sadd.s32 $0x10, s22;
	vm0 =	vmmov vm1  }
.LBB2_11:
0x389: {  	_ =	sdelay $0x4  }
0x38a: {  	v1 =	vld.msk [tilespmem:s22+$0x0 ss:$0x1], vm1;
	_ =	sdelay $0x4  }
0x38b: {  	v1 =	vshll.u32 v1, $0x4  }
0x38c: {  	[tilespmem:s22+$0x0] =	vst.msk vm0, v1  }
.LBB2_12:
0x38d: {  	s0 =	sand.u32 $0x1, s19  }
0x38e: {  	s0 =	smul.u32 $0x180, s0  }
0x38f: {  	p3 =	sne.s32 s28, $0xFFFFFFFF  }
0x390: {  	v1 =	vld.msk @!p3 [tilespmem:s0+$0x6938], $0x1;
	_ =	sdelay $0x4  }
0x391: {  	(v2sf) =	vpush @!p3 v1, $0x0;
	_ =	sdelay $0xc  }
.Ltmp12:
0x392: {  	_ = 	snop;
	(pc) =	sbr.rel @p2 .LBB2_23-.Ltmp12, $4  }
0x393: {  	_ = 	snop  }
0x394: {  	s26 =	spop @!p3 (v2sf)  }
0x395: {  	s20 =	simm.s32 @!p3 $0x0;
	s22 =	smov.u32 s26  }
0x396: {  	[sflag:s16] =	ssyncpa.u1 $0x0;
	s26 =	smov.u32 @p3 s25;
	s22 =	smov.u32 @p3 s28  }
0x397: {  	v1 =	vld.msk [tilespmem:s21+$0x0], $0x1;
	_ =	sdelay $0x4  }
0x398: {  	(v2sf) =	vpush v1, $0x0;
	_ =	sdelay $0xe  }
0x399: {  	s0 =	smul.u32 $0x30000, s23;
	s30 =	spop (v2sf)  }
0x39a: {  	s24 =	ssub.s32 $0x0, s24;
	p2 =	seq.s32 s26, s30  }
0x39b: {  	s28 =	sadd.s32 $0x1, s24;
	s0 =	sshrl.u32 s0, $0x2;
	p3 =	sgt.s32 @!p2 s26, $0x0  }
0x39c: {  	s23 =	sadd.s32 $0x6C48, s0;
	s0 =	smov.u32 s26;
	p3 =	por !p3, p2  }
0x39d: {  	s0 =	simm.s32 @p3 $0x0;
	p3 =	seq.s32 s28, $0x0  }
.Ltmp13:
0x39e: {  	_ = 	snop;
	(pc) =	sbr.rel @p3 .LBB2_15-.Ltmp13, $4  }
0x39f: {  	s9 =	smov.u32 s8  }
0x3a0: {  	s25 =	simm.s32 $0x0;
	s31 =	simm.s32 @!p2 $0x1;
	s1 =	smin.u32 @!p2 s0, $0x270FC  }
0x3a1: {  	s31 =	smov.u32 @p2 s25;
	s0 =	simm.s32 @!p2 $0x3068;
	s29 =	sand.u32 @!p2 $0x3FFF8, s1  }
0x3a2: {  	s5 =	sand.u32 @!p2 $0x7, s1;
	s1 =	sadd.s32 @!p2 s4, s29;
	s29 =	sadd.s32 $0x1, s21  }
.LBB2_14:
0x3a3: {  	s8 =	smov.u32 s31  }
0x3a4: {  	[tilespmem:s0], [sflag:$0x2] =	stream.linear.gather @!p2 [hbm4b:s1+s5], $0x20, $0x38;
	[tilespmem:$0x1EC38] =	vst v63  }
0x3a5: {  	s28 =	sadd.s32 $0x1, s28;
	s1 =	smov.u32 s30;
	v1 =	vld.msk [tilespmem:s29+$0x0], $0x1  }
0x3a6: {  	p3 =	seq.s32 s28, $0x0;
	_ =	sdelay $0x3  }
0x3a7: {  	(v2sf) =	vpush v1, $0x0;
	_ =	sdelay $0xe  }
0x3a8: {  	s30 =	spop (v2sf)  }
0x3a9: {  	p2 =	seq.s32 s1, s30  }
0x3aa: {  	p4 =	sgt.s32 @!p2 s1, $0x0;
	s0 =	sshll.u32 @!p2 s31, $0x7;
	s31 =	sadd.s32 @!p2 $0x1, s31  }
.Ltmp14:
0x3ab: {  	p4 =	por !p4, p2;
	s0 =	sshra.s32 @!p2 s0, $0x2;
	(pc) =	sbr.rel @!p3 .LBB2_14-.Ltmp14, $4  }
0x3ac: {  	s31 =	smov.u32 @p2 s8;
	s1 =	simm.s32 @p4 $0x0;
	s0 =	sadd.s32 @!p2 $0x3068, s0  }
0x3ad: {  	s1 =	smin.u32 @!p2 s1, $0x270FC  }
0x3ae: {  	s8 =	sand.u32 @!p2 $0x3FFF8, s1;
	s5 =	sand.u32 @!p2 $0x7, s1  }
0x3af: {  	s29 =	sadd.s32 $0x1, s29;
	s1 =	sadd.s32 @!p2 s4, s8  }
.LBB2_15:
0x3b0: {  	[tilespmem:s0], [sflag:$0x2] =	stream.linear.gather @!p2 [hbm4b:s1+s5], $0x20, $0x38;
	[tilespmem:$0x1EC38] =	vst v63  }
.Ltmp15:
0x3b1: {  	s30 =	sshll.u32 s31, $0x5;
	(pc) =	sbr.rel .LBB2_16-.Ltmp15, $4  }
0x3b2: {  	s31 =	simm.s32 $0x2;
	s0 =	sand.u32 $0x3FFFFFE0, s30  }
0x3b3: {  	_ =	swait.ge [sflag:s31], s0  }
0x3b4: {  	s0 =	ssub.s32 $0x0, s0;
	[sflag:s31] =	ssyncset.done $0x0  }
0x3b5: {  	s29 =	simm.s32 $0x0;
	s8 =	smov.u32 s9;
	[sflag:s31] =	ssyncadd.s32 s0  }
.LBB2_17:
0x3b6: {  	v1 =	vld [tilespmem:s23+$0xFFFFFFF0];
	_ =	sdelay $0x4  }
0x3b7: {  	[tilespmem:s0+$0x48] =	vst.add.f32.msk $0xffff, v1  }
0x3b8: {  	v1 =	vld [tilespmem:s23+$0x0];
	_ =	sdelay $0x4  }
0x3b9: {  	[tilespmem:s0+$0x58] =	vst.add.f32.msk $0xffff, v1  }
.LBB2_21:
0x3ba: {  	s24 =	sadd.s32 $0x1, s24  }
0x3bb: {  	p2 =	seq.s32 s24, $0x0  }
.Ltmp16:
0x3bc: {  	_ = 	snop;
	(pc) =	sbr.rel @p2 .LBB2_22-.Ltmp16, $2  }
0x3bd: {  	_ =	sdelay $0x2  }
0x3be: {  	s23 =	sadd.s32 $0x80, s23;
	s21 =	sadd.s32 $0x1, s21;
	s26 =	smov.u32 s28  }
.LBB2_16:
0x3bf: {  	v1 =	vld.msk [tilespmem:s21+$0x0], $0x1;
	_ =	sdelay $0x4  }
0x3c0: {  	(v2sf) =	vpush v1, $0x0;
	_ =	sdelay $0xe  }
0x3c1: {  	s28 =	spop (v2sf)  }
0x3c2: {  	p2 =	sne.s32 s26, s28  }
.Ltmp17:
0x3c3: {  	_ = 	snop;
	(pc) =	sbr.rel @!p2 .LBB2_17-.Ltmp17, $3  }
0x3c4: {  	_ =	sdelay $0x1  }
0x3c5: {  	s0 =	sshll.u32 s20, $0x7  }
0x3c6: {  	s0 =	sshra.s32 s0, $0x2  }
0x3c7: {  	p2 =	seq.s32 s26, s22  }
.Ltmp18:
0x3c8: {  	_ = 	snop;
	(pc) =	sbr.rel @!p2 .LBB2_19-.Ltmp18, $1  }
0x3c9: {  	_ =	sdelay $0x3  }
.Ltmp19:
0x3ca: {  	s0 =	sadd.s32 $0x48, s0;
	(pc) =	sbr.rel .LBB2_20-.Ltmp19, $4  }
0x3cb: {  	[spmem:s13] =	stream.linear.scatter [tilespmem:s0], [sflag:$0x1], $0x20, $0x38;
	[tilespmem:$0x1EC38] =	vst v63  }
0x3cc: {  	_ =	swait.ge [sflag:s2], $0x20  }
0x3cd: {  	[sflag:s2] =	ssyncset.done $0x0  }
0x3ce: {  	[sflag:s2] =	ssyncadd.s32 $0xFFFFFFE0  }
.LBB2_19:
0x3cf: {  	s1 =	sshll.u32 s25, $0x7  }
0x3d0: {  	s1 =	sshra.s32 s1, $0x2  }
0x3d1: {  	v1 =	vld [tilespmem:s1+$0x3068];
	_ =	sdelay $0x4  }
0x3d2: {  	[tilespmem:s0+$0x48] =	vst.add.f32.msk $0xffff, v1  }
0x3d3: {  	v1 =	vld [tilespmem:s1+$0x3078];
	_ =	sdelay $0x2  }
0x3d4: {  	p2 =	sgt.u32 s26, $0x270FC  }
0x3d5: {  	s1 =	sand.u32 @!p2 $0x3FFF8, s26  }
0x3d6: {  	s5 =	sadd.s32 $0x48, s0;
	[tilespmem:s0+$0x58] =	vst.add.f32.msk $0xffff, v1;
	s0 =	sadd.s32 @!p2 s4, s1;
	s1 =	sand.u32 @!p2 $0x7, s26  }
0x3d7: {  	[hbm4b:s0+s1] =	stream.linear.scatter @!p2 [tilespmem:s5], [sflag:$0xA], $0x20, $0x38;
	[tilespmem:$0x1EC38] =	vst v63  }
0x3d8: {  	s0 =	simm.s32 $0x0  }
0x3d9: {  	s0 =	simm.s32 @!p2 $0x80  }
0x3da: {  	s29 =	sadd.s32 s0, s29  }
.LBB2_20:
0x3db: {  	s0 =	sadd.s32 $0x1, s20  }
0x3dc: {  	s1 =	smulhi.u32 $0xAAAAAAAB, s0;
	_ =	sdelay $0x1  }
0x3dd: {  	v1 =	vld [tilespmem:s23+$0xFFFFFFF0];
	s1 =	sshrl.u32 s1, $0x8  }
0x3de: {  	s1 =	smul.u32 $0x180, s1;
	_ =	sdelay $0x1  }
0x3df: {  	s20 =	ssub.s32 s0, s1  }
0x3e0: {  	s0 =	sshll.u32 s20, $0x5  }
0x3e1: {  	[tilespmem:s0+$0x48] =	vst v1  }
0x3e2: {  	v1 =	vld [tilespmem:s23+$0x0]  }
.Ltmp20:
0x3e3: {  	_ = 	snop;
	(pc) =	sbr.rel .LBB2_21-.Ltmp20, $2  }
0x3e4: {  	_ =	sdelay $0x2  }
0x3e5: {  	s25 =	sadd.s32 $0x1, s25;
	[tilespmem:s0+$0x58] =	vst v1  }
.LBB2_23:
.Ltmp21:
0x3e6: {  	(pc) =	sbr.rel .LBB2_24-.Ltmp21, $4  }
0x3e7: {  	_ = 	snop  }
0x3e8: {  	s0 =	simm.s32 $0x2  }
0x3e9: {  	_ =	swait.ge [sflag:s0], $0x0  }
0x3ea: {  	s28 =	smov.u32 s26;
	[sflag:s0] =	ssyncset.done $0x0;
	s0 =	simm.s32 $0x0  }
.LBB2_26:
0x3eb: {  	_ =	sfence.sel $0x180000  }
0x3ec: {  	s0 =	simm.s32 $0x7;
	[bflag:$0x0] =	sbarrier.arrive $0xFFFF  }
0x3ed: {  	s25 =	simm.s32 $0x8;
	[sflag:s0] =	ssyncpa.u1 $0x1  }
0x3ee: {  	s26 =	simm.s32 $0x9;
	[sflag:s25] =	ssyncpa.u1 $0x1  }
0x3ef: {  	s28 =	simm.s32 $0x2;
	[sflag:s26] =	ssyncpa.u1 $0x1  }
0x3f0: {  	[sflag:s28] =	ssyncpa.u1 $0x1  }
0x3f1: {  	v0 =	vld [tilespmem:$0x6088];
	_ =	sdelay $0x4  }
0x3f2: {  	(v2sf) =	vpush v0, $0x0  }
0x3f3: {  	(v2sf) =	vpush v0, $0x1;
	_ =	sdelay $0x1  }
0x3f4: {  	(v2sf) =	vpush v0, $0x2;
	_ =	sdelay $0xb  }
0x3f5: {  	s0 =	spop (v2sf)  }
0x3f6: {  	s1 =	spop (v2sf)  }
0x3f7: {  	s2 =	smov.u32 s0;
	p0 =	sne.s32 s0, s1  }
0x3f8: {  	s3 =	spop (v2sf);
	s2 =	simm.s32 @!p0 $0xFFFFFFFF  }
0x3f9: {  	v2 =	vimm.s32 $0x1;
	v3 =	vlaneseq.u32;
	p0 =	seq.s32 s3, $0xFFFFFFFF;
	v1 =	vmov s2  }
0x3fa: {  	s7 =	stileid.u32;
	v0 =	vperm.xlane v0, v2;
	p1 =	sne.s32 @!p0 s0, s1;
	v1 =	vperm.xlane v1, v3  }
0x3fb: {  	vm0 =	vcmask $0x3F04;
	s6 =	simm.s32 $0x6088;
	s0 =	simm.s32 @!p0 $0x1;
	p1 =	por !p1, p0  }
0x3fc: {  	s2 =	sshll.u32 s7, $0x1;
	s1 =	sshll.u32 @!p0 s3, $0x7;
	s0 =	simm.s32 @p1 $0x0;
	v0 =	vsel vm0, v1, v0  }
0x3fd: {  	s5 =	sor.u32 $0x400, s2;
	s1 =	sshra.s32 @!p0 s1, $0x2;
	s0 =	sor.u32 @!p0 s0, s2;
	[tilespmem:$0x6088] =	vst v0  }
0x3fe: {  	[spmem:s5] =	stream.linear.scatter [tilespmem:s6], [sflag:$0x1], $0x2, $0x38;
	[tilespmem:$0x1EC38] =	vst v63  }
0x3ff: {  	s1 =	sadd.s32 @!p0 $0x48, s1;
	s0 =	sshll.u32 @!p0 s0, $0x5  }
0x400: {  	[spmem:s0] =	stream.linear.scatter @!p0 [tilespmem:s1], [sflag:$0x1], $0x20, $0x38;
	[tilespmem:$0x1EC38] =	vst v63  }
0x401: {  	s1 =	simm.s32 @!p0 $0x22  }
0x402: {  	s0 =	simm.s32 $0x1;
	s1 =	simm.s32 @p0 $0x2  }
0x403: {  	_ =	swait.ge [sflag:s0], s1  }
0x404: {  	s1 =	ssub.s32 $0x0, s1;
	[sflag:s0] =	ssyncset.done $0x0  }
0x405: {  	[sflag:s0] =	ssyncadd.s32 s1  }
0x406: {  	_ =	sfence.stream.spmem  }
0x407: {  	s29 =	simm.s32 $0x3;
	[bflag:$0x0] =	sbarrier.arrive $0xFFFF  }
0x408: {  	s30 =	simm.s32 $0x4;
	[sflag:s29] =	ssyncpa.u1 $0x1  }
0x409: {  	s31 =	simm.s32 $0x3C;
	[sflag:s30] =	ssyncpa.u1 $0x1  }
0x40a: {  	p0 =	sne.s32 s7, $0x0;
	[sflag:s31] =	ssyncpa.u1 $0x1  }
0x40b: {  	_ =	sfence @p0  }
0x40c: {  	[sflag:s0] =	ssyncpa.u1 @p0 $0x1  }
0x40d: {  	_ =	strace @p0 $0x90000050  }
0x40e: {  	[bflag:$0x2] =	sbarrier.arrive @p0 $0xFFFF  }
0x40f: {  	_ =	shalt @p0  }
.LBB2_27:
0x410: {  	_ =	sfence.stream.spmem;
	s0 =	simm.s32 $0x5  }
0x411: {  	s1 =	simm.s32 $0x400;
	s2 =	simm.s32 $0x6098;
	[sflag:s0] =	ssyncpa.u1 $0x0  }
0x412: {  	[tilespmem:s2], [sflag:$0x5] =	stream.linear.gather [spmem:s1], $0x20, $0x38;
	[tilespmem:$0x1EC38] =	vst v63  }
0x413: {  	s30 =	simm.s32 $0x60B8;
	s1 =	simm.s32 $0x0  }
0x414: {  	[tilespmem:s30], [sflag:$0x5] =	stream.linear.gather [spmem:s1], $0x400, $0x38;
	[tilespmem:$0x1EC38] =	vst v63  }
.Ltmp22:
0x415: {  	_ = 	snop;
	(pc) =	sbr.rel .LBB2_28-.Ltmp22, $4  }
0x416: {  	_ =	swait.ge [sflag:s0], $0x420  }
0x417: {  	[sflag:s0] =	ssyncset.done $0x0  }
0x418: {  	s31 =	simm.s32 $0x6;
	[sflag:s0] =	ssyncadd.s32 $0xFFFFFBE0  }
0x419: {  	s2 =	simm.s32 $0x0;
	[sflag:s31] =	ssyncpa.u1 $0x0  }
.LBB2_34:
0x41a: {  	p0 =	slt.u32 s3, $0x270FD  }
0x41b: {  	s0 =	sand.u32 @p0 $0x3FFF8, s3  }
0x41c: {  	s3 =	sand.u32 @p0 $0x7, s3;
	s5 =	simm.s32 @p0 $0x6068;
	s0 =	sadd.s32 @p0 s4, s0  }
0x41d: {  	[tilespmem:s5], [sflag:$0x6] =	stream.linear.gather @p0 [hbm4b:s0+s3], $0x20, $0x38;
	[tilespmem:$0x1EC38] =	vst v63  }
0x41e: {  	s0 =	simm.s32 @p0 $0x6  }
0x41f: {  	_ =	swait.ge @p0 [sflag:s0], $0x20  }
0x420: {  	[sflag:s0] =	ssyncset.done @p0 $0x0  }
0x421: {  	[sflag:s0] =	ssyncadd.s32 @p0 $0xFFFFFFE0  }
0x422: {  	v1 =	vld @p0 [tilespmem:$0x6068];
	_ =	sdelay $0x2  }
0x423: {  	s0 =	sshll.u32 @p0 s2, $0x7  }
0x424: {  	s3 =	sshrl.u32 @p0 s0, $0x2  }
0x425: {  	[tilespmem:s3+$0x60B8] =	vst.add.f32.msk @p0 $0xffff, v1  }
0x426: {  	v1 =	vld @p0 [tilespmem:$0x6078];
	_ =	sdelay $0x3  }
0x427: {  	s5 =	sshll.u32 @!p0 s2, $0x7  }
0x428: {  	s5 =	smov.u32 @p0 s0;
	[tilespmem:s3+$0x60C8] =	vst.add.f32.msk @p0 $0xffff, v1  }
0x429: {  	s0 =	sshrl.u32 s5, $0x2;
	[tilespmem:s1+$0x6098] =	vst.msk $0x1, v0  }
0x42a: {  	v0 =	vld [tilespmem:s0+$0x60B8];
	_ =	sdelay $0x2  }
0x42b: {  	s31 =	sshll.u32 s1, $0x7  }
0x42c: {  	s3 =	sshra.s32 s31, $0x2  }
0x42d: {  	[tilespmem:s3+$0x60B8] =	vst v0  }
0x42e: {  	v0 =	vld [tilespmem:s0+$0x60C8];
	_ =	sdelay $0x4  }
0x42f: {  	s1 =	sadd.s32 $0x1, s1;
	[tilespmem:s3+$0x60C8] =	vst v0  }
.LBB2_35:
0x430: {  	s2 =	sadd.s32 $0x1, s2  }
0x431: {  	p0 =	sne.s32 s2, $0x20  }
.Ltmp23:
0x432: {  	_ = 	snop;
	(pc) =	sbr.rel @!p0 .LBB2_36-.Ltmp23, $1  }
0x433: {  	_ =	sdelay $0x3  }
.LBB2_28:
0x434: {  	v0 =	vld.msk [tilespmem:s2+$0x6098], $0x1;
	_ =	sdelay $0x4  }
0x435: {  	(v2sf) =	vpush v0, $0x0;
	_ =	sdelay $0xe  }
0x436: {  	s3 =	spop (v2sf)  }
0x437: {  	p0 =	seq.s32 s3, $0xFFFFFFFF  }
.Ltmp24:
0x438: {  	_ = 	snop;
	(pc) =	sbr.rel @p0 .LBB2_35-.Ltmp24, $1  }
0x439: {  	_ =	sdelay $0x3  }
0x43a: {  	p0 =	slt.s32 s1, $0x1  }
.Ltmp25:
0x43b: {  	_ = 	snop;
	(pc) =	sbr.rel @p0 .LBB2_34-.Ltmp25, $1  }
0x43c: {  	_ =	sdelay $0x3  }
0x43d: {  	s5 =	simm.s32 $0x6098;
	p0 =	por $0x0, $0x0  }
0x43e: {  	v1 =	vld.msk @!p0 [tilespmem:s5+$0x0], $0x1;
	_ =	sdelay $0x4  }
0x43f: {  	(v2sf) =	vpush @!p0 v1, $0x0;
	_ =	sdelay $0xd  }
0x440: {  	p2 =	sne.s32 s1, $0x1  }
.Ltmp26:
0x441: {  	s0 =	spop @!p0 (v2sf);
	(pc) =	sbr.rel @!p2 .LBB2_32-.Ltmp26, $4  }
0x442: {  	p1 =	seq.s32 @!p0 s3, s0  }
0x443: {  	s6 =	simm.s32 $0x0;
	p1 =	por !p1, p0  }
0x444: {  	s0 =	simm.s32 $0xFFFFFFFF;
	s6 =	simm.s32 @p1 $0xFFFFFFFF  }
0x445: {  	s7 =	simm.s32 $0x1;
	s6 =	smov.u32 @p0 s0  }
.LBB2_31:
0x446: {  	s0 =	smov.u32 s6;
	p0 =	sne.s32 s6, $0xFFFFFFFF  }
0x447: {  	s5 =	sadd.s32 $0x1, s5;
	s6 =	smov.u32 s7;
	s7 =	sadd.s32 $0x1, s7  }
0x448: {  	p1 =	sne.s32 s1, s7;
	v1 =	vld.msk @!p0 [tilespmem:s5+$0x0], $0x1;
	_ =	sdelay $0x4  }
0x449: {  	(v2sf) =	vpush @!p0 v1, $0x0;
	_ =	sdelay $0xe  }
.Ltmp27:
0x44a: {  	s8 =	spop @!p0 (v2sf);
	(pc) =	sbr.rel @p1 .LBB2_31-.Ltmp27, $4  }
0x44b: {  	p2 =	seq.s32 @!p0 s3, s8  }
0x44c: {  	p2 =	por !p2, p0  }
0x44d: {  	s6 =	simm.s32 @p2 $0xFFFFFFFF  }
0x44e: {  	s6 =	smov.u32 @p0 s0  }
.LBB2_32:
0x44f: {  	p0 =	seq.s32 s6, $0xFFFFFFFF  }
.Ltmp28:
0x450: {  	_ = 	snop;
	(pc) =	sbr.rel @p0 .LBB2_34-.Ltmp28, $1  }
0x451: {  	_ =	sdelay $0x3  }
0x452: {  	s0 =	sshll.u32 s2, $0x5  }
0x453: {  	s0 =	sand.u32 $0x3FFFFFE0, s0  }
0x454: {  	v0 =	vld [tilespmem:s0+$0x60B8];
	_ =	sdelay $0x2  }
0x455: {  	s3 =	sshll.u32 s6, $0x7  }
0x456: {  	s3 =	sshra.s32 s3, $0x2  }
0x457: {  	[tilespmem:s3+$0x60B8] =	vst.add.f32.msk $0xffff, v0  }
0x458: {  	v0 =	vld [tilespmem:s0+$0x60C8]  }
.Ltmp29:
0x459: {  	_ = 	snop;
	(pc) =	sbr.rel .LBB2_35-.Ltmp29, $2  }
0x45a: {  	_ =	sdelay $0x2  }
0x45b: {  	[tilespmem:s3+$0x60C8] =	vst.add.f32.msk $0xffff, v0  }
.LBB2_36:
0x45c: {  	p0 =	slt.s32 s1, $0x1  }
.Ltmp30:
0x45d: {  	_ = 	snop;
	(pc) =	sbr.rel @p0 .LBB2_40-.Ltmp30, $3  }
0x45e: {  	_ =	sdelay $0x1  }
0x45f: {  	s0 =	simm.s32 $0x6  }
0x460: {  	s2 =	simm.s32 $0x0;
	[sflag:s0] =	ssyncpa.u1 $0x1  }
0x461: {  	s0 =	simm.s32 $0x6098  }
0x462: {  	v0 =	vld.msk [tilespmem:s0+$0x0], $0x1;
	_ =	sdelay $0x4  }
0x463: {  	(v2sf) =	vpush v0, $0x0;
	_ =	sdelay $0xe  }
0x464: {  	s1 =	sadd.s32 $0xFFFFFFFF, s1;
	s0 =	spop (v2sf)  }
0x465: {  	p1 =	sne.s32 s1, $0x0;
	p0 =	sgt.u32 s0, $0x270FC  }
.Ltmp31:
0x466: {  	s5 =	sand.u32 @!p0 $0x3FFF8, s0;
	(pc) =	sbr.rel @!p1 .LBB2_39-.Ltmp31, $4  }
0x467: {  	s3 =	simm.s32 $0x60B8;
	s0 =	sand.u32 @!p0 $0x7, s0;
	s5 =	sadd.s32 @!p0 s4, s5  }
0x468: {  	[hbm4b:s5+s0] =	stream.linear.scatter @!p0 [tilespmem:s3], [sflag:$0x5], $0x20, $0x38;
	[tilespmem:$0x1EC38] =	vst v63  }
0x469: {  	s0 =	simm.s32 $0x0  }
0x46a: {  	s5 =	simm.s32 $0x6099;
	s0 =	simm.s32 @!p0 $0x80  }
.LBB2_38:
0x46b: {  	v0 =	vld.msk [tilespmem:s5+$0x0], $0x1;
	s1 =	sadd.s32 $0xFFFFFFFF, s1;
	s2 =	sadd.s32 s2, s0  }
0x46c: {  	p0 =	sne.s32 s1, $0x0;
	_ =	sdelay $0x3  }
0x46d: {  	(v2sf) =	vpush v0, $0x0;
	_ =	sdelay $0xe  }
.Ltmp32:
0x46e: {  	s6 =	spop (v2sf);
	(pc) =	sbr.rel @p0 .LBB2_38-.Ltmp32, $4  }
0x46f: {  	s0 =	simm.s32 $0x0;
	p1 =	sgt.u32 s6, $0x270FC  }
0x470: {  	s3 =	sadd.s32 $0x20, s3;
	s0 =	simm.s32 @!p1 $0x80;
	s7 =	sand.u32 @!p1 $0x3FFF8, s6  }
0x471: {  	s5 =	sadd.s32 $0x1, s5;
	s6 =	sand.u32 @!p1 $0x7, s6;
	s7 =	sadd.s32 @!p1 s4, s7  }
0x472: {  	[hbm4b:s7+s6] =	stream.linear.scatter @!p1 [tilespmem:s3], [sflag:$0x5], $0x20, $0x38;
	[tilespmem:$0x1EC38] =	vst v63  }
.LBB2_39:
0x473: {  	s0 =	sadd.s32 s2, s0  }
0x474: {  	s2 =	sshrl.u32 s0, $0x2  }
.LBB2_40:
0x475: {  	s0 =	simm.s32 $0x5  }
0x476: {  	_ =	swait.ge [sflag:s0], s2  }
0x477: {  	s1 =	ssub.s32 $0x0, s2;
	[sflag:s0] =	ssyncset.done $0x0  }
0x478: {  	[sflag:s0] =	ssyncadd.s32 s1  }
0x479: {  	[sflag:s0] =	ssyncpa.u1 $0x1  }
0x47a: {  	s30 =	simm.s32 $0x1;
	_ =	sfence  }
0x47b: {  	[sflag:s30] =	ssyncpa.u1 $0x1  }
0x47c: {  	_ =	strace $0x90000050  }
0x47d: {  	[bflag:$0x2] =	sbarrier.arrive $0xFFFF  }
0x47e: {  	s31 =	rddreg [dreg:$0x2]  }
0x47f: {  	s0 =	sadd.s32 $0x100000, s31  }
0x480: {  	[sflag:s0] =	ssyncadd.tile.s32 $0x1;
	_ =	shalt  }
.Lfunc_end2:
_tile_overlayer_lowered:
.L_overlay_start_2:
0x481: {  	(tag) =	ssettag $0x2  }
0x482: {  	s0 =	rddreg [dreg:$0x0];
	s2 =	stileid.u32  }
0x483: {  	s1 =	rddreg [dreg:$0x1];
	p0 =	sne.s32 s2, $0x0  }
0x484: {  	s3 =	rddreg [dreg:$0x2];
	[bflag:$0x3] =	sbarrier.arrive $0xFFFF;
	s2 =	simm.s32 @!p0 $0x1C01  }
0x485: {  	[timem:s3], [sflag:s2] =	dma.local @!p0 [hbm:s0], s1  }
0x486: {  	s0 =	simm.s32 @!p0 $0x1  }
0x487: {  	_ =	swait.ge @!p0 [sflag:s0], s1  }
0x488: {  	s1 =	ssub.s32 @!p0 $0x0, s1;
	[sflag:s0] =	ssyncset.done @!p0 $0x0  }
0x489: {  	[sflag:s0] =	ssyncadd.s32 @!p0 s1  }
0x48a: {  	[bflag:$0x3] =	sbarrier.arrive $0xFFFF  }
0x48b: {  	_ =	shalt  }

// kernel: scatter_offload_async_start
scs
__scs_entry_jumppad:
0x0: {  	(pc) =	sbr.rel $0x88, $3  }
0x1: {  	(tag) =	ssettag $0x0;
	lr =	simm.s32 $0x1  }
0x2: {  	[smem:$0x3F90] =	sst lr;
	_ =	strace $0xD0000000  }
0x3: {  	_ = 	snop  }
0x4: {  	_ = 	snop  }
0x5: {  	_ = 	snop  }
0x6: {  	_ = 	snop  }
0x7: {  	_ = 	snop  }
__scs_overlays_trampoline_lowered:
0x8: {  	[smem:$0x3F9F] =	sst s0  }
0x9: {  	[smem:$0x3FA0] =	sst s1  }
0xa: {  	[smem:$0x3FA1] =	sst s2  }
0xb: {  	[smem:$0x3FA2] =	sst s3  }
0xc: {  	[smem:$0x3FA3] =	sst s4  }
0xd: {  	[smem:$0x3FA4] =	sst s5  }
0xe: {  	[smem:$0x3FA5] =	sst s6  }
0xf: {  	[smem:$0x3FA6] =	sst s7  }
0x10: {  	[smem:$0x3FA7] =	sst s8  }
0x11: {  	[smem:$0x3FA8] =	sst s9;
	s0 =	simm.s32 @!p0 $0x0  }
0x12: {  	s1 =	sld [smem:$0x3F8E];
	s0 =	simm.s32 @p0 $0x1  }
0x13: {  	[smem:$0x3FA9] =	sst s0;
	s0 =	simm.s32 @!p1 $0x0  }
0x14: {  	s2 =	sld [smem:$0x3F8D];
	s0 =	simm.s32 @p1 $0x1  }
0x15: {  	[smem:$0x3FAA] =	sst s0;
	s0 =	simm.s32 @!p2 $0x0  }
0x16: {  	s3 =	sld [smem:$0x3FDB];
	s0 =	simm.s32 @p2 $0x1  }
0x17: {  	s4 =	simm.s32 $0x1BF5;
	[smem:$0x3FAC] =	sst s0  }
0x18: {  	s0 =	sld [smem:$0x3F8F];
	_ =	swait.ge [sflag:s4], $0x0  }
0x19: {  	s7 =	sld [smem:$0x3F90]  }
0x1a: {  	s8 =	sadd.s32 $0xFFFFE003, lr  }
0x1b: {  	s9 =	sadd.s32 $0xFFFFFEF7, lr;
	s5 =	simm.s32 $0xFFFFFFFF;
	p2 =	slt.u32 s8, $0xFFFFF086  }
0x1c: {  	p1 =	slt.u32 s9, $0xF7A;
	s5 =	simm.s32 @!p2 $0x0  }
0x1d: {  	s5 =	simm.s32 @p1 $0x1;
	p0 =	seq.s32 s7, s2  }
0x1e: {  	s7 =	smul.u32 @!p0 $0xF7A, s2;
	p2 =	seq.s32 @!p0 s5, $0x0  }
0x1f: {  	s9 =	smul.u32 $0xF7A, s1;
	s8 =	simm.s32 @!p0 $0x1BF5;
	p2 =	por !p2, p0  }
0x20: {  	[sflag:s8] =	ssyncset.s32 @!p0 $0xFFFFF086;
	s6 =	sadd.s32 @!p0 s3, s7;
	s7 =	simm.s32 @!p0 $0x108  }
0x21: {  	s3 =	sadd.s32 s3, s9;
	s6 =	sadd.s32 @!p0 $0x88, s6;
	s7 =	simm.s32 @p2 $0x1082  }
0x22: {  	[simem:s7], [sflag:s8] =	dma.local @!p0 [hbm:s6], $0xF7A  }
0x23: {  	s9 =	sor.u32 $0xD0000000, s2;
	s6 =	simm.s32 $0x108;
	_ =	swait.ge @!p0 [sflag:s8], $0x0  }
0x24: {  	s3 =	sadd.s32 $0x88, s3;
	s6 =	simm.s32 @!p1 $0x1082;
	[sflag:s4] =	ssyncset.s32 $0xFFFFF086  }
0x25: {  	[simem:s6], [sflag:s4] =	dma.local [hbm:s3], $0xF7A  }
0x26: {  	[smem:$0x3F90] =	sst s1;
	(tag) =	ssettag s2;
	_ =	strace s9  }
0x27: {  	s1 =	sld [smem:$0x3FA0]  }
0x28: {  	s2 =	sld [smem:$0x3FA1]  }
0x29: {  	s4 =	sld [smem:$0x3FA3]  }
0x2a: {  	p0 =	seq.s32 s5, $0x0;
	s5 =	sld [smem:$0x3FA4]  }
0x2b: {  	s6 =	sld [smem:$0x3FA5]  }
0x2c: {  	s7 =	sld [smem:$0x3FA6]  }
0x2d: {  	s3 =	simm.s32 $0x108;
	s8 =	sld [smem:$0x3FA7]  }
0x2e: {  	s3 =	simm.s32 @!p0 $0x1082;
	s9 =	sld [smem:$0x3FA8]  }
0x2f: {  	lr =	sadd.s32 s0, s3;
	s0 =	sld [smem:$0x3F9F]  }
0x30: {  	s3 =	sld [smem:$0x3FA2]  }
0x31: {  	[smem:$0x3FAB] =	sst s10  }
0x32: {  	s10 =	sld [smem:$0x3FA9];
	_ =	sdelay $0x3  }
0x33: {  	p0 =	seq.s32 s10, $0x1;
	s10 =	sld [smem:$0x3FAB];
	_ =	sdelay $0x3  }
0x34: {  	[smem:$0x3FAB] =	sst s10  }
0x35: {  	s10 =	sld [smem:$0x3FAA];
	_ =	sdelay $0x3  }
0x36: {  	p1 =	seq.s32 s10, $0x1;
	s10 =	sld [smem:$0x3FAB];
	_ =	sdelay $0x3  }
0x37: {  	[smem:$0x3FAB] =	sst s10  }
0x38: {  	s10 =	sld [smem:$0x3FAC]  }
0x39: {  	_ = 	snop;
	(pc) =	sbr.ind lr, $3  }
0x3a: {  	_ = 	snop  }
0x3b: {  	_ = 	snop  }
0x3c: {  	p2 =	seq.s32 s10, $0x1;
	s10 =	sld [smem:$0x3FAB]  }
0x3d: {  	_ =	shalt  }
0x3e: {  	_ =	shalt  }
0x3f: {  	_ =	shalt  }
0x40: {  	_ =	shalt  }
0x41: {  	_ =	shalt  }
0x42: {  	_ =	shalt  }
0x43: {  	_ =	shalt  }
0x44: {  	_ =	shalt  }
0x45: {  	_ =	shalt  }
0x46: {  	_ =	shalt  }
0x47: {  	_ =	shalt  }
0x48: {  	_ =	shalt  }
0x49: {  	_ =	shalt  }
0x4a: {  	_ =	shalt  }
0x4b: {  	_ =	shalt  }
0x4c: {  	_ =	shalt  }
0x4d: {  	_ =	shalt  }
0x4e: {  	_ =	shalt  }
0x4f: {  	_ =	shalt  }
0x50: {  	_ =	shalt  }
0x51: {  	_ =	shalt  }
0x52: {  	_ =	shalt  }
0x53: {  	_ =	shalt  }
0x54: {  	_ =	shalt  }
0x55: {  	_ =	shalt  }
0x56: {  	_ =	shalt  }
0x57: {  	_ =	shalt  }
0x58: {  	_ =	shalt  }
0x59: {  	_ =	shalt  }
0x5a: {  	_ =	shalt  }
0x5b: {  	_ =	shalt  }
0x5c: {  	_ =	shalt  }
0x5d: {  	_ =	shalt  }
0x5e: {  	_ =	shalt  }
0x5f: {  	_ =	shalt  }
0x60: {  	_ =	shalt  }
0x61: {  	_ =	shalt  }
0x62: {  	_ =	shalt  }
0x63: {  	_ =	shalt  }
0x64: {  	_ =	shalt  }
0x65: {  	_ =	shalt  }
0x66: {  	_ =	shalt  }
0x67: {  	_ =	shalt  }
0x68: {  	_ =	shalt  }
0x69: {  	_ =	shalt  }
0x6a: {  	_ =	shalt  }
0x6b: {  	_ =	shalt  }
0x6c: {  	_ =	shalt  }
0x6d: {  	_ =	shalt  }
0x6e: {  	_ =	shalt  }
0x6f: {  	_ =	shalt  }
0x70: {  	_ =	shalt  }
0x71: {  	_ =	shalt  }
0x72: {  	_ =	shalt  }
0x73: {  	_ =	shalt  }
0x74: {  	_ =	shalt  }
0x75: {  	_ =	shalt  }
0x76: {  	_ =	shalt  }
0x77: {  	_ =	shalt  }
0x78: {  	_ =	shalt  }
0x79: {  	_ =	shalt  }
0x7a: {  	_ =	shalt  }
0x7b: {  	_ =	shalt  }
0x7c: {  	_ =	shalt  }
0x7d: {  	_ =	shalt  }
0x7e: {  	_ =	shalt  }
0x7f: {  	_ =	shalt  }
0x80: {  	_ =	shalt  }
0x81: {  	_ =	shalt  }
0x82: {  	_ =	shalt  }
0x83: {  	_ =	shalt  }
0x84: {  	_ =	shalt  }
0x85: {  	_ =	shalt  }
0x86: {  	_ =	shalt  }
0x87: {  	_ =	shalt  }
.Lfunc_end0:
.L_simem_size_0:
called_computation_lowered:
.L_overlay_start_0:
0x88: {  	s0 =	sld [smem:$0x3FD9]  }
0x89: {  	s1 =	sld [smem:$0x3FFE];
	_ =	sdelay $0x3  }
0x8a: {  	s0 =	sadd.s32 s1, s0  }
0x8b: {  	[smem:$0x3FB7] =	sst s0  }
0x8c: {  	_ = 	snop  }
0x8d: {  	(tm) =	ssettm $0x1  }
0x8e: {  	s15 =	sld [smem:$0x3FFB];
	_ =	sdelay $0x3  }
0x8f: {  	_ =	strace s15  }
0x90: {  	s0 =	sld [smem:$0x3FFC];
	_ =	sdelay $0x3  }
0x91: {  	_ =	strace s0  }
0x92: {  	s0 =	sld [smem:$0x3FFD];
	_ =	sdelay $0x3  }
0x93: {  	_ =	strace s0  }
0x94: {  	_ =	strace $0x8FFFFFFF  }
0x95: {  	s16 =	sld [smem:$0x3FDB];
	_ =	sdelay $0x1  }
0x96: {  	s17 =	simm.s32 $_scs_section_size  }
0x97: {  	s2 =	simm.s32 $_size__tile_overlayer_lowered;
	s3 =	simm.s32 $_tile_overlayer_lowered  }
0x98: {  	s20 =	simm.s32 $0x1BFF;
	s19 =	sshll.u32 s3, $0x1;
	s0 =	sadd.s32 s17, s16  }
0x99: {  	s4 =	simm.s32 $0x0;
	s18 =	sshll.u32 s2, $0x1;
	s2 =	sadd.s32 s19, s0  }
0x9a: {  	[timem:s4], [sflag:s20] =	dma.local [hbm:s2], s18  }
0x9b: {  	_ =	swait.ge [sflag:s20], s18  }
0x9c: {  	s1 =	ssub.s32 $0x0, s18;
	[sflag:s20] =	ssyncset.done $0x0  }
0x9d: {  	[sflag:s20] =	ssyncadd.s32 s1;
	_ =	sdelay $0x1  }
0x9e: {  	s21 =	simm.s32 $0x1B8B  }
0x9f: {  	_ =	swait.ge [sflag:s21], $0x1  }
0xa0: {  	[sflag:s21] =	ssyncset.done $0x0  }
0xa1: {  	s23 =	simm.s32 $0x1B8E;
	s22 =	sld [smem:$0x3FFE];
	[sflag:s21] =	ssyncadd.s32 $0xFFFFFFFF  }
0xa2: {  	s24 =	simm.s32 $execute0_lowered;
	[smem:$0x3FD2] =	sst s23  }
0xa3: {  	s2 =	sshll.u32 s24, $0x1;
	_ =	strace $0x80000046;
	[dreg:$0x1] =	wrdreg $0xFFFFFFFF  }
0xa4: {  	s25 =	simm.s32 $_size_execute0_lowered;
	s0 =	sadd.s32 s0, s2;
	[dreg:$0x0] =	wrdreg $0x0  }
0xa5: {  	s2 =	sshll.u32 s25, $0x1;
	[dreg:$0x2] =	wrdreg s0  }
0xa6: {  	[dreg:$0x3] =	wrdreg s2  }
0xa7: {  	[dreg:$0x4] =	wrdreg $0xC0  }
0xa8: {  	_ =	task [dreg:s4], $0x5FFFF  }
0xa9: {  	[dreg:$0x1] =	wrdreg $0xFFFFFFFF  }
0xaa: {  	[dreg:$0x0] =	wrdreg $0x60  }
0xab: {  	[dreg:$0x2] =	wrdreg s22  }
0xac: {  	[dreg:$0x3] =	wrdreg $0xB  }
0xad: {  	_ =	task.clear_ibuf [dreg:s4], $0x4FFFF;
	_ =	strace $0x90000046  }
0xae: {  	s26 =	simm.s32 $0xB;
	_ =	strace $0x80000048  }
0xaf: {  	_ =	swait.ge [sflag:s26], $0x1  }
0xb0: {  	[sflag:s26] =	ssyncadd.s32 $0xFFFFFFFF  }
0xb1: {  	_ =	strace $0x90000048  }
0xb2: {  	_ =	sfence  }
0xb3: {  	s28 =	sld [smem:$0x0];
	_ =	sdelay $0x1  }
0xb4: {  	s29 =	srdreg.scid  }
0xb5: {  	s30 =	sshll.u32 s29, $0xD;
	s31 =	sshrl.u32 s29, $0x2  }
0xb6: {  	s1 =	sand.u32 $0x1, s29;
	s2 =	sand.u32 $0x4000, s30;
	s0 =	sadd.s32 s31, s28  }
0xb7: {  	s1 =	sor.u32 s2, s1;
	s0 =	sshll.u32 s0, $0x11  }
0xb8: {  	s0 =	sor.u32 s0, s1  }
0xb9: {  	s0 =	sadd.s32 $0x8F2B, s0  }
0xba: {  	[sflag:s0] =	ssyncadd.remote.s32 $0x1  }
0xbb: {  	_ =	sfence.sel $0xFFFF  }
0xbc: {  	[dreg:$0x0] =	wrdreg $0xFFFFFFFF;
	(pc) =	sbr.abs _section_cstart, $3  }
0xbd: {  	[dreg:$0x1] =	wrdreg $0xFFFFFFFF  }
0xbe: {  	_ =	task.clear_ibuf [dreg:s4], $0x2FFFF;
	_ =	strace $0x9FFFFFFF  }
0xbf: {  	(tm) =	ssettm $0x7FFFFFFF  }
tec
execute0_lowered:
.L_overlay_start_1:
0x0: {  	(tag) =	ssettag $0x1  }
0x1: {  	s0 =	rddreg [dreg:$0x0]  }
0x2: {  	s6 =	stileid.u32;
	_ =	strace $0x80000047;
	s2 =	simm.s32 $0x1  }
0x3: {  	v1 =	vimm.s32 $0xFFFFFFFF;
	s1 =	smin.u32 s6, $0x9;
	[sflag:s2] =	ssyncpa.u1 $0x0  }
0x4: {  	s1 =	sadd.s32 s6, s1;
	[tilespmem:$0x10] =	vst v1  }
0x5: {  	v0 =	vimm.f32 $0.0e+00;
	p0 =	slt.u32 s6, $0x9;
	[tilespmem:$0x20] =	vst v1;
	s3 =	smul.u32 $0x1DB0, s1;
	s1 =	simm.s32 $0x3B60  }
0x6: {  	[tilespmem:$0x30] =	vst v0;
	s1 =	simm.s32 @!p0 $0x1DB0  }
0x7: {  	[tilespmem:$0x40] =	vst v0;
	s1 =	sadd.s32 s1, s3  }
0x8: {  	[tilespmem:$0x50] =	vst v0;
	s4 =	smin.u32 s1, $0x2E630  }
0x9: {  	s7 =	simm.s32 $0x2;
	[tilespmem:$0x60] =	vst v1;
	s9 =	ssub.s32 s4, s3  }
0xa: {  	s8 =	simm.s32 $0x8;
	s31 =	simm.s32 $0x9;
	[tilespmem:$0x70] =	vst v1;
	p0 =	sgt.s32 s9, $0x0  }
0xb: {  	s16 =	simm.s32 $0x0;
	s17 =	simm.s32 $0xF0;
	[tilespmem:$0x80] =	vst v1;
	s9 =	simm.s32 @!p0 $0x0  }
0xc: {  	s18 =	simm.s32 $0xFFFFFFFF;
	s19 =	simm.s32 $0xFFFFC5A0;
	v1 =	vimm.s32 $0x0;
	[tilespmem:$0xB0] =	vst v0;
	s5 =	smulhi.u32 $0x44FC3A35, s9  }
0xd: {  	s20 =	simm.s32 $0xFFFFFFFE;
	s21 =	simm.s32 $0xF;
	s25 =	simm.s32 $0x0;
	[tilespmem:$0x90] =	vst v1  }
0xe: {  	[tilespmem:$0xA0] =	vst v1;
	[sflag:s7] =	ssyncpa.u1 $0x0;
	s7 =	simm.s32 $0x7;
	s10 =	sshrl.u32 s5, $0xB  }
0xf: {  	s24 =	simm.s32 $0x0;
	[sflag:s7] =	ssyncpa.u1 $0x0;
	s11 =	smul.u32 $0x1DB0, s10  }
0x10: {  	s14 =	sshllo.u32 s6, $0x1;
	[sflag:s8] =	ssyncpa.u1 $0x0;
	s23 =	smov.u32 s3  }
.Ltmp0:
0x11: {  	s1 =	sadd.s32 $0x1FC00, s0;
	p0 =	sne.s32 s9, s11;
	(pc) =	sbr.rel .LBB2_1-.Ltmp0, $4  }
0x12: {  	s5 =	sadd.s32 $0x2C400, s0;
	s0 =	sadd.s32 $0x32200, s0;
	s2 =	simm.s32 @!p0 $0x0  }
0x13: {  	[sflag:s31] =	ssyncpa.u1 $0x0;
	[dreg:$0x2] =	wrdreg s0;
	s9 =	sadd.s32 s2, s10  }
0x14: {  	vm0 =	vmmov $0xffff;
	v2 =	vlaneseq.u32;
	p0 =	por $0x0, $0x0;
	s10 =	sshll.u32 s6, $0x1;
	s11 =	sadd.s32 $0x1, s9  }
0x15: {  	vm1 =	vmxor vm1, vm1;
	vm2 =	vmmov $0x1;
	vm3 =	vcmask $0x3F3C;
	s12 =	sadd.s32 $0x2, s9;
	s13 =	sor.u32 $0x81, s10;
	s15 =	sor.u32 $0x80, s10  }
.LBB2_9:
0x16: {  	p1 =	slt.u32 s24, $0x3  }
0x17: {  	s0 =	simm.s32 @!p1 $0x2  }
0x18: {  	_ =	swait.ge @!p1 [sflag:s0], $0x1DB0  }
0x19: {  	[sflag:s0] =	ssyncset.done @!p1 $0x0  }
0x1a: {  	[sflag:s0] =	ssyncadd.s32 @!p1 $0xFFFFE250;
	s0 =	simm.s32 @!p1 $0x9  }
0x1b: {  	_ =	swait.ge @!p1 [sflag:s0], $0x10  }
0x1c: {  	[sflag:s0] =	ssyncset.done @!p1 $0x0  }
0x1d: {  	[sflag:s0] =	ssyncadd.s32 @!p1 $0xFFFFFFF0;
	p1 =	sne.s32 s24, s12  }
.Ltmp1:
0x1e: {  	s2 =	sadd.s32 $0x1DB0, s23;
	(pc) =	sbr.rel @!p1 .LBB2_10-.Ltmp1, $4  }
0x1f: {  	s6 =	smov.u32 s3;
	s31 =	sadd.s32 $0x1, s24;
	s17 =	sadd.s32 $0x1DB0, s17  }
0x20: {  	s18 =	sadd.s32 $0x1, s18;
	s25 =	smov.u32 s23;
	p2 =	slt.s32 s2, s4  }
0x21: {  	p0 =	por !p0, !p0;
	s19 =	sadd.s32 $0x1DB0, s19;
	s6 =	smov.u32 @p2 s2  }
0x22: {  	s20 =	sadd.s32 $0x1, s20;
	s23 =	smov.u32 s6;
	s24 =	smov.u32 s31  }
.LBB2_1:
0x23: {  	p1 =	sge.u32 s24, s9  }
0x24: {  	s0 =	smulhi.u32 @!p1 $0xAAAAAAAB, s24;
	_ =	sdelay $0x1  }
0x25: {  	s0 =	sshrl.u32 @!p1 s0, $0x1  }
0x26: {  	s0 =	smul.u32 @!p1 $0x3, s0;
	_ =	sdelay $0x1  }
0x27: {  	s0 =	ssub.s32 @!p1 s24, s0  }
0x28: {  	s0 =	smul.u32 @!p1 $0x76C0, s0;
	_ =	sdelay $0x1  }
0x29: {  	s2 =	sshrl.u32 @!p1 s23, $0x3;
	s0 =	sshrl.u32 @!p1 s0, $0x2  }
0x2a: {  	s22 =	sand.u32 @!p1 $0x7, s23;
	s2 =	sadd.s32 @!p1 s5, s2;
	s0 =	sadd.s32 @!p1 $0x100, s0  }
0x2b: {  	[tilespmem:s0], [sflag:$0x7] =	stream.linear.gather @!p1 [hbm4b:s2+s22], $0x1DB0, $0x38;
	[tilespmem:$0x10C50] =	vst v63  }
0x2c: {  	s0 =	sadd.s32 $0xFFFFFFFF, s24  }
0x2d: {  	p1 =	sge.u32 s0, s9  }
.Ltmp2:
0x2e: {  	_ = 	snop;
	(pc) =	sbr.rel @p1 .LBB2_5-.Ltmp2, $1  }
0x2f: {  	_ =	sdelay $0x3  }
0x30: {  	s2 =	smulhi.u32 $0xAAAAAAAB, s0;
	_ =	sdelay $0x1  }
0x31: {  	s2 =	sshrl.u32 s2, $0x1  }
0x32: {  	s2 =	smul.u32 $0x3, s2;
	_ =	sdelay $0x1  }
0x33: {  	s2 =	ssub.s32 s0, s2  }
0x34: {  	s2 =	smul.u32 $0x76C0, s2  }
0x35: {  	_ =	swait.ge [sflag:s7], $0x1DB0  }
0x36: {  	[sflag:s7] =	ssyncset.done $0x0;
	s2 =	sshrl.u32 s2, $0x2  }
0x37: {  	[sflag:s7] =	ssyncadd.s32 $0xFFFFE250;
	(ifvalue) =	ssetifvalue $0xFFFFFFFF;
	v3 =	vld.msk [tilespmem:s2+$0x100 ss:$0x1], $0xffff;
	_ =	sdelay $0x2  }
0x38: {  	s30 =	smulhi.u32 $0xAAAAAAAB, s18;
	p1 =	sne.s32 s24, $0x1  }
0x39: {  	v4 =	vimm.s32 @!p1 $0x0  }
0x3a: {  	s2 =	sshrl.u32 s30, $0x1;
	v4 =	vperm.xlane @!p1 v3, v4  }
0x3b: {  	s22 =	sshll.u32 s24, $0x4;
	s2 =	smul.u32 $0xFFFE9BC0, s2;
	vm4 =	vlt.u32 v3, $0x2800  }
0x3c: {  	s22 =	sand.u32 $0x10, s22;
	v3 =	vnsel vm4, $0xFFFFFFFE, v3;
	vm4 =	vlt.u32 @!p1 v4, $0x2800  }
0x3d: {  	s2 =	sshra.s32 s2, $0x2;
	[tilespmem:s22+$0x60] =	vst v3;
	v3 =	vnsel @!p1 vm4, $0xFFFFFFFE, v4  }
0x3e: {  	s28 =	sadd.s32 s2, s17;
	[tilespmem:$0x80] =	vst @!p1 v3  }
0x3f: {  	v3 =	vld.msk [tilespmem:s28+$0x0 ss:$0x1], $0xffff;
	_ =	sdelay $0x4  }
0x40: {  	(xrf1) =	vunique.msk.u32 $0xffff, v3;
	_ =	sdelay $0xd  }
0x41: {  	v4 =	vimm.s32 $0xFFFFFFFF;
	v5, _, _ =	vpop (xrf1)  }
0x42: {  	vm5 =	vne.s32 v3, v4;
	vm4 =	veq.s32 v5, v2  }
0x43: {  	vm6 =	vlt.u32 v3, $0x2800;
	vm4 =	vmand vm5, vm4  }
0x44: {  	vm4 =	vmand vm6, vm4  }
0x45: {  	v4 =	vnsel vm4, $0xFFFFFFFF, v3  }
0x46: {  	s31 =	sand.u32 $0x1, s0  }
0x47: {  	s0 =	simm.s32 $0x1DB0;
	p1 =	seq.s32 s31, $0x1  }
0x48: {  	s0 =	simm.s32 @!p1 $0x0  }
0x49: {  	s26 =	sadd.s32 $0x77B0, s0;
	(ifvalue) =	ssetifvalue $0xFFFFFFFF  }
0x4a: {  	v3 =	vperm.xlane v3, v1;
	[tilespmem:s26], [sflag:$0x8] =	stream.indirect_vreg.gather [hbm4b:s1+s16], $0x1, v4, vm0, $0x4038;
	v4 =	vnsel vm6, $0xFFFFFFFE, v4;
	[tilespmem:$0x10C50] =	vst v63  }
0x4b: {  	s2 =	simm.s32 $0x0;
	s22 =	sadd.s32 $0xFFFFFFF0, s28;
	[tilespmem:s28+$0x0] =	vst v4  }
.LBB2_3:
0x4c: {  	v4 =	vld.msk [tilespmem:s22+$0x0 ss:$0x1], $0xffff;
	s2 =	sadd.s32 $0x10, s2;
	v5 =	vmov v3;
	s28 =	smov.u32 s22  }
0x4d: {  	p1 =	slt.u32 s2, $0x1DA0;
	_ =	sdelay $0x4  }
0x4e: {  	v3 =	vperm.xlane v4, v1;
	(xrf1) =	vunique.msk.u32 $0xffff, v4;
	_ =	sdelay $0xd  }
0x4f: {  	v6, _, _ =	vpop (xrf1)  }
0x50: {  	vm5 =	vne.s32 v4, v5;
	vm4 =	veq.s32 v6, v2  }
0x51: {  	vm6 =	vlt.u32 v4, $0x2800;
	vm4 =	vmand vm5, vm4  }
0x52: {  	vm4 =	vmand vm6, vm4  }
0x53: {  	v4 =	vnsel vm4, $0xFFFFFFFF, v4  }
.Ltmp3:
0x54: {  	v5 =	vnsel vm6, $0xFFFFFFFE, v4;
	(pc) =	sbr.rel @p1 .LBB2_3-.Ltmp3, $3  }
0x55: {  	_ =	sdelay $0x1  }
0x56: {  	s22 =	sadd.s32 $0xFFFFFFF0, s22;
	s26 =	sadd.s32 $0xFFFFFFF0, s26;
	(ifvalue) =	ssetifvalue $0xFFFFFFFF  }
0x57: {  	[tilespmem:s26], [sflag:$0x8] =	stream.indirect_vreg.gather [hbm4b:s1+s16], $0x1, v4, vm0, $0x4038;
	[tilespmem:s28+$0x0] =	vst v5  }
0x58: {  	s2 =	sshrl.u32 s25, $0x3;
	s6 =	rddreg [dreg:$0x2]  }
0x59: {  	s0 =	sadd.s32 $0x9570, s0;
	s2 =	sadd.s32 s6, s2  }
0x5a: {  	[tilespmem:s0], [sflag:$0x8] =	stream.linear.gather [hbm:s2], $0x1DB0, $0x38;
	[tilespmem:$0x10C50] =	vst v63  }
.LBB2_5:
0x5b: {  	p1 =	slt.u32 s24, $0x2  }
0x5c: {  	p2 =	sge.u32 @!p1 s24, s12  }
0x5d: {  	p1 =	por p1, p2  }
.Ltmp4:
0x5e: {  	_ = 	snop;
	(pc) =	sbr.rel @p1 .LBB2_9-.Ltmp4, $1  }
0x5f: {  	_ =	sdelay $0x3  }
0x60: {  	s0 =	sadd.s32 $0xFFFFFFFE, s24  }
0x61: {  	s2 =	smulhi.u32 $0xAAAAAAAB, s0;
	_ =	sdelay $0x1  }
0x62: {  	s2 =	sshrl.u32 s2, $0x1  }
0x63: {  	s2 =	smul.u32 $0x3, s2;
	_ =	sdelay $0x1  }
0x64: {  	s0 =	ssub.s32 s0, s2  }
0x65: {  	_ =	swait.ge [sflag:s8], $0x3B60;
	s0 =	smul.u32 $0x1DB0, s0  }
0x66: {  	p1 =	sne.s32 s24, s11;
	[sflag:s8] =	ssyncset.done $0x0  }
0x67: {  	[sflag:s8] =	ssyncadd.s32 $0xFFFFC4A0;
	s2 =	sadd.s32 @!p1 $0x1EAF, s0  }
0x68: {  	[spmem:s13] =	stream.linear.scatter @!p1 [tilespmem:s2], [sflag:$0x1], $0x1, $0x38;
	[tilespmem:$0x10C50] =	vst v63  }
0x69: {  	s2 =	simm.s32 @!p1 $0x1  }
0x6a: {  	_ =	swait.ge @!p1 [sflag:s2], $0x1  }
0x6b: {  	s22 =	sshll.u32 s24, $0x4;
	[sflag:s2] =	ssyncset.done @!p1 $0x0  }
0x6c: {  	s25 =	sand.u32 $0x10, s22;
	[sflag:s2] =	ssyncadd.s32 @!p1 $0xFFFFFFFF  }
0x6d: {  	s2 =	sxor.u32 $0x10, s25;
	v4 =	vld [tilespmem:s25+$0x10]  }
0x6e: {  	v5 =	vld [tilespmem:s2+$0x60]  }
0x6f: {  	v3 =	vld [tilespmem:$0x80];
	_ =	sdelay $0x2  }
0x70: {  	(v2sf) =	vpush v4, $0x0  }
0x71: {  	(v2sf) =	vpush v5, $0x0  }
0x72: {  	(v2sf) =	vpush v3, $0x0;
	_ =	sdelay $0xc  }
0x73: {  	s6 =	spop (v2sf)  }
0x74: {  	s28 =	spop (v2sf)  }
0x75: {  	s26 =	spop (v2sf)  }
0x76: {  	p2 =	seq.s32 s6, s28;
	p3 =	seq.s32 s26, s6  }
0x77: {  	p3 =	por p2, p3  }
0x78: {  	s6 =	sand.u32 $0x1, s24;
	v4 =	vpsel p3, $0xFFFFFFFF, v4  }
0x79: {  	s28 =	smul.u32 $0x1DB0, s6;
	[tilespmem:s25+$0x10] =	vst.msk $0x1, v4  }
0x7a: {  	v4 =	vld [tilespmem:$0x30]  }
0x7b: {  	v5 =	vld [tilespmem:s28+$0x9570]  }
0x7c: {  	v6 =	vld [tilespmem:s25+$0x40];
	_ =	sdelay $0x3  }
0x7d: {  	vm4 =	vmmov vm1;
	v5 =	vadd.f32 v5, v4  }
0x7e: {  	vm5 =	vmmov vm2;
	vm4 =	vmmov @p2 vm2;
	v4 =	vadd.f32 v6, v4  }
0x7f: {  	s22 =	sshll.u32 s6, $0x4;
	vm5 =	vmmov @p3 vm1;
	[tilespmem:s28+$0x9570] =	vst.msk vm4, v5  }
0x80: {  	[tilespmem:s22+$0x10C30] =	vst.msk vm5, v4  }
0x81: {  	v4 =	vld [tilespmem:s28+$0x77B0];
	_ =	sdelay $0x3  }
0x82: {  	v5 =	vimm.f32 $0.0e+00  }
0x83: {  	v4 =	vshift.insert v4, v5, s21  }
0x84: {  	s29 =	sor.u32 $0x40, s2  }
0x85: {  	[tilespmem:s29+$0x0] =	vst.msk $0x1, v4  }
0x86: {  	[tilespmem:s28+$0x77BF] =	vst.msk $0x1, v5  }
0x87: {  	v4 =	vld [tilespmem:s0+$0x1EA0];
	_ =	sdelay $0x1  }
0x88: {  	s29 =	smulhi.u32 $0xAAAAAAAB, s20;
	s0 =	simm.s32 $0x1  }
0x89: {  	s0 =	simm.s32 @!p0 $0x0  }
0x8a: {  	s29 =	sshrl.u32 s29, $0x1;
	s0 =	smul.u32 $0x76C0, s0  }
0x8b: {  	s29 =	smul.u32 $0xFFFE9BC0, s29;
	v4 =	vshift.insert v4, v1, s21  }
0x8c: {  	s0 =	sshrl.u32 s0, $0x2  }
0x8d: {  	s29 =	sshra.s32 s29, $0x2;
	s30 =	sadd.s32 $0x9570, s0;
	[tilespmem:s2+$0x10] =	vst.msk $0x1, v4  }
0x8e: {  	s6 =	sadd.s32 s29, s19;
	v6 =	vld [tilespmem:s30+$0x0]  }
0x8f: {  	v7 =	vld [tilespmem:s6+$0x0];
	_ =	sdelay $0x3  }
0x90: {  	v5 =	vadd.f32 v6, v5  }
0x91: {  	vm4 =	vne.s32 v7, $0xFFFFFFFF  }
0x92: {  	(xrf2) =	vadd.seg.scan.f32 vm4, v5;
	_ =	sdelay $0x3  }
0x93: {  	s31 =	sadd.s32 $0x5A10, s0;
	v5 =	vperm.xlane v4, v1  }
0x94: {  	v6 =	vld [tilespmem:s31+$0x0]  }
0x95: {  	vm5 =	veq.s32 v7, v3;
	vm6 =	veq.s32 v7, v5  }
0x96: {  	vm7 =	vgt.u32 v7, $0xFFFFFFFD;
	vm6 =	vmor vm6, vm5  }
0x97: {  	vm6 =	vmor vm6, vm7  }
0x98: {  	v9 =	vld [tilespmem:$0xA0];
	v7 =	vsel vm6, $0xFFFFFFFF, v7  }
0x99: {  	v10 =	vld [tilespmem:$0x90];
	v6 =	vsel vm5, $0x0, v6;
	v8, _, _ =	vpop (xrf2)  }
0x9a: {  	v6 =	vadd.f32 v8, v6  }
0x9b: {  	s0 =	sadd.s32 $0xD0D0, s0  }
0x9c: {  	vm4 =	vmand vm4, vm3;
	[tilespmem:s0+$0x0] =	vst v6;
	(ifvalue) =	ssetifvalue $0xFFFFFFFF  }
0x9d: {  	vm6 =	veq.s32 v9, $0x1;
	[hbm4b:s1+s16] =	stream.indirect_vreg.scatter [tilespmem:s0], [sflag:$0x2], $0x1, v7, vm0, $0x4038;
	v7 =	vsel vm4, $0x0, v8;
	[tilespmem:$0x10C50] =	vst v63  }
0x9e: {  	s29 =	sadd.s32 $0x10C30, s22;
	s22 =	sadd.s32 $0x10, s6;
	s2 =	simm.s32 $0x0;
	vm4 =	vmor vm6, vm5;
	v6 =	vsel vm5, v8, v10;
	v7 =	vshift.insert v7, v0, s21  }
.LBB2_7:
0x9f: {  	v8 =	vld [tilespmem:s22+$0x0];
	s30 =	sadd.s32 $0x10, s30  }
0xa0: {  	s31 =	sadd.s32 $0x10, s31;
	v9 =	vld [tilespmem:s30+$0x0]  }
0xa1: {  	s2 =	sadd.s32 $0x10, s2;
	v10 =	vld [tilespmem:s31+$0x0]  }
0xa2: {  	p2 =	slt.u32 s2, $0x1DA0;
	_ =	sdelay $0x2  }
0xa3: {  	v7 =	vadd.f32 v9, v7  }
0xa4: {  	vm5 =	vne.s32 v8, $0xFFFFFFFF  }
0xa5: {  	vm6 =	vmand vm5, vm3;
	(xrf2) =	vadd.seg.scan.f32 vm5, v7;
	_ =	sdelay $0x5  }
0xa6: {  	vm7 =	veq.s32 v8, v5;
	vm5 =	veq.s32 v8, v3  }
0xa7: {  	vm8 =	vgt.u32 v8, $0xFFFFFFFD;
	vm4 =	vmor vm4, vm5;
	vm7 =	vmor vm7, vm5  }
0xa8: {  	vm7 =	vmor vm7, vm8  }
0xa9: {  	v8 =	vsel vm7, $0xFFFFFFFF, v8  }
.Ltmp5:
0xaa: {  	v7 =	vsel vm5, $0x0, v10;
	v9, _, _ =	vpop (xrf2);
	(pc) =	sbr.rel @p2 .LBB2_7-.Ltmp5, $4  }
0xab: {  	v6 =	vsel vm5, v9, v6;
	v10 =	vadd.f32 v9, v7;
	v7 =	vsel vm6, $0x0, v9  }
0xac: {  	s0 =	sadd.s32 $0x10, s0;
	v7 =	vshift.insert v7, v0, s21  }
0xad: {  	s22 =	sadd.s32 $0x10, s22;
	[tilespmem:s0+$0x0] =	vst v10;
	(ifvalue) =	ssetifvalue $0xFFFFFFFF  }
0xae: {  	[hbm4b:s1+s16] =	stream.indirect_vreg.scatter [tilespmem:s0], [sflag:$0x2], $0x1, v8, vm0, $0x4038;
	[tilespmem:$0x10C50] =	vst v63  }
0xaf: {  	v3 =	vld [tilespmem:s28+$0xEE70];
	_ =	sdelay $0x4  }
0xb0: {  	v3 =	vshift.insert v3, v0, s21  }
0xb1: {  	s0 =	simm.s32 $0x30  }
0xb2: {  	[tilespmem:s0+$0x0] =	vst.msk $0x1, v3  }
0xb3: {  	v3 =	vsel vm4, $0x1, v1;
	[tilespmem:$0x90] =	vst v6  }
0xb4: {  	s0 =	sadd.s32 @!p1 $0xEE7F, s28;
	[tilespmem:$0xA0] =	vst v3  }
0xb5: {  	[spmem:s14] =	stream.linear.scatter @!p1 [tilespmem:s0], [sflag:$0x1], $0x1, $0x38;
	[tilespmem:$0x10C50] =	vst v63  }
0xb6: {  	s0 =	simm.s32 @!p1 $0x1  }
0xb7: {  	v3 =	vmctz.xlane @!p1 vm4;
	_ =	swait.ge @!p1 [sflag:s0], $0x1  }
0xb8: {  	(v2sf) =	vpush @!p1 v4, $0x0  }
0xb9: {  	(v2sf) =	vpush @!p1 v3, $0x0;
	_ =	sdelay $0xd  }
0xba: {  	s2 =	spop @!p1 (v2sf)  }
0xbb: {  	s6 =	spop @!p1 (v2sf)  }
0xbc: {  	p2 =	sne.s32 @!p1 s26, s2;
	p3 =	slt.s32 @!p1 s6, $0xF  }
0xbd: {  	[sflag:s0] =	ssyncset.done @!p1 $0x0;
	p2 =	por p2, p1;
	p3 =	por !p3, p1  }
0xbe: {  	[sflag:s0] =	ssyncadd.s32 @!p1 $0xFFFFFFFF;
	v3 =	vimm.s32 @!p2 $0xFFFFFFFF;
	s6 =	simm.s32 @p3 $0xF  }
0xbf: {  	[tilespmem:$0x80] =	vst @!p2 v3;
	s2 =	sadd.s32 @!p1 $0x90, s6  }
0xc0: {  	[spmem:s10] =	stream.linear.scatter @!p1 [tilespmem:s2], [sflag:$0x1], $0x1, $0x38;
	[tilespmem:$0x10C50] =	vst v63  }
0xc1: {  	_ =	swait.ge @!p1 [sflag:s0], $0x1  }
0xc2: {  	[sflag:s0] =	ssyncset.done @!p1 $0x0  }
0xc3: {  	s2 =	simm.s32 @!p1 $0x80;
	[sflag:s0] =	ssyncadd.s32 @!p1 $0xFFFFFFFF  }
0xc4: {  	[spmem:s15] =	stream.linear.scatter @!p1 [tilespmem:s2], [sflag:$0x1], $0x1, $0x38;
	[tilespmem:$0x10C50] =	vst v63  }
0xc5: {  	_ =	swait.ge @!p1 [sflag:s0], $0x1  }
0xc6: {  	[sflag:s0] =	ssyncset.done @!p1 $0x0  }
0xc7: {  	[sflag:s0] =	ssyncadd.s32 @!p1 $0xFFFFFFFF;
	(ifvalue) =	ssetifvalue $0xFFFFFFFF;
	v3 =	vld [tilespmem:s25+$0x10];
	_ =	sdelay $0x3  }
.Ltmp6:
0xc8: {  	_ = 	snop;
	(pc) =	sbr.rel .LBB2_9-.Ltmp6, $3  }
0xc9: {  	_ =	sdelay $0x1  }
0xca: {  	(ifvalue) =	ssetifvalue $0xFFFFFFFF  }
0xcb: {  	[hbm4b:s1+s16] =	stream.indirect_vreg.scatter [tilespmem:s29], [sflag:$0x9], $0x1, v3, vm0, $0x4038;
	[tilespmem:$0x10C50] =	vst v63  }
.LBB2_10:
0xcc: {  	_ =	sfence.sel $0x180000  }
0xcd: {  	s0 =	simm.s32 $0x7;
	[bflag:$0x0] =	sbarrier.arrive $0xFFFF  }
0xce: {  	s26 =	simm.s32 $0x8;
	[sflag:s0] =	ssyncpa.u1 $0x1  }
0xcf: {  	s28 =	simm.s32 $0x9;
	[sflag:s26] =	ssyncpa.u1 $0x1  }
0xd0: {  	[sflag:s28] =	ssyncpa.u1 $0x1  }
0xd1: {  	_ =	sfence.stream.spmem  }
0xd2: {  	s29 =	simm.s32 $0x3;
	[bflag:$0x0] =	sbarrier.arrive $0xFFFF  }
0xd3: {  	s30 =	simm.s32 $0x4;
	[sflag:s29] =	ssyncpa.u1 $0x1  }
0xd4: {  	s31 =	simm.s32 $0x3C;
	s2 =	stileid.u32;
	[sflag:s30] =	ssyncpa.u1 $0x1  }
0xd5: {  	p0 =	sne.s32 s2, $0x0;
	[sflag:s31] =	ssyncpa.u1 $0x1  }
0xd6: {  	s0 =	simm.s32 @p0 $0x1;
	_ =	sfence @p0  }
0xd7: {  	[sflag:s0] =	ssyncpa.u1 @p0 $0x1;
	s0 =	simm.s32 @p0 $0x2  }
0xd8: {  	[sflag:s0] =	ssyncpa.u1 @p0 $0x1  }
0xd9: {  	_ =	strace @p0 $0x90000047  }
0xda: {  	[bflag:$0x2] =	sbarrier.arrive @p0 $0xFFFF  }
0xdb: {  	_ =	shalt @p0  }
.LBB2_11:
0xdc: {  	_ =	sfence.stream.spmem;
	s0 =	simm.s32 $0x5  }
0xdd: {  	s2 =	simm.s32 $0x80;
	s3 =	simm.s32 $0xC0;
	[sflag:s0] =	ssyncpa.u1 $0x0  }
0xde: {  	[tilespmem:s3], [sflag:$0x5] =	stream.linear.gather [spmem:s2], $0x20, $0x38;
	[tilespmem:$0x10C50] =	vst v63  }
0xdf: {  	s2 =	simm.s32 $0x0;
	s3 =	simm.s32 $0xE0  }
0xe0: {  	[tilespmem:s3], [sflag:$0x5] =	stream.linear.gather [spmem:s2], $0x20, $0x38;
	[tilespmem:$0x10C50] =	vst v63  }
.Ltmp7:
0xe1: {  	_ = 	snop;
	(pc) =	sbr.rel .LBB2_12-.Ltmp7, $4  }
0xe2: {  	_ =	swait.ge [sflag:s0], $0x40  }
0xe3: {  	[sflag:s0] =	ssyncset.done $0x0  }
0xe4: {  	s31 =	simm.s32 $0x6;
	[sflag:s0] =	ssyncadd.s32 $0xFFFFFFC0  }
0xe5: {  	s4 =	simm.s32 $0x0;
	[sflag:s31] =	ssyncpa.u1 $0x0  }
.LBB2_17:
0xe6: {  	p0 =	sgt.u32 s5, $0x27FF  }
0xe7: {  	s0 =	sshrl.u32 @!p0 s5, $0x3  }
0xe8: {  	s5 =	sand.u32 @!p0 $0x7, s5;
	s6 =	simm.s32 @!p0 $0xB0;
	s0 =	sadd.s32 @!p0 s1, s0  }
0xe9: {  	[tilespmem:s6], [sflag:$0x6] =	stream.linear.gather @!p0 [hbm4b:s0+s5], $0x1, $0x38;
	[tilespmem:$0x10C50] =	vst v63  }
0xea: {  	s0 =	simm.s32 @!p0 $0x6  }
0xeb: {  	_ =	swait.ge @!p0 [sflag:s0], $0x1  }
0xec: {  	[sflag:s0] =	ssyncset.done @!p0 $0x0  }
0xed: {  	[sflag:s0] =	ssyncadd.s32 @!p0 $0xFFFFFFFF  }
0xee: {  	v2 =	vmov @!p0 s4;
	v1 =	vld.msk @!p0 [tilespmem:$0xB0], $0x1;
	_ =	sdelay $0x3  }
0xef: {  	s0 =	simm.s32 @!p0 $0xE0  }
0xf0: {  	[tilespmem:v2+s0+$0x0], v1 =	vst.idx.ret.add.f32.msk @!p0 $0x1, v1  }
0xf1: {  	[tilespmem:s2+$0xC0] =	vst.msk $0x1, v0  }
0xf2: {  	v0 =	vld.msk [tilespmem:s4+$0xE0], $0x1;
	_ =	sdelay $0x4  }
0xf3: {  	[tilespmem:s2+$0xE0] =	vst.msk $0x1, v0;
	s2 =	sadd.s32 $0x1, s2  }
.LBB2_19:
0xf4: {  	s4 =	sadd.s32 $0x1, s4  }
0xf5: {  	p0 =	sne.s32 s4, $0x20  }
.Ltmp8:
0xf6: {  	_ = 	snop;
	(pc) =	sbr.rel @!p0 .LBB2_20-.Ltmp8, $1  }
0xf7: {  	_ =	sdelay $0x3  }
.LBB2_12:
0xf8: {  	v0 =	vld.msk [tilespmem:s4+$0xC0], $0x1;
	_ =	sdelay $0x4  }
0xf9: {  	(v2sf) =	vpush v0, $0x0;
	_ =	sdelay $0xe  }
0xfa: {  	s5 =	spop (v2sf)  }
0xfb: {  	p0 =	seq.s32 s5, $0xFFFFFFFF  }
.Ltmp9:
0xfc: {  	_ = 	snop;
	(pc) =	sbr.rel @p0 .LBB2_19-.Ltmp9, $1  }
0xfd: {  	_ =	sdelay $0x3  }
0xfe: {  	p0 =	slt.s32 s2, $0x1  }
.Ltmp10:
0xff: {  	_ = 	snop;
	(pc) =	sbr.rel @p0 .LBB2_17-.Ltmp10, $1  }
0x100: {  	_ =	sdelay $0x3  }
0x101: {  	s0 =	simm.s32 $0xC0;
	p0 =	por $0x0, $0x0  }
0x102: {  	v1 =	vld.msk @!p0 [tilespmem:s0+$0x0], $0x1;
	_ =	sdelay $0x4  }
0x103: {  	(v2sf) =	vpush @!p0 v1, $0x0;
	_ =	sdelay $0xd  }
0x104: {  	p2 =	sne.s32 s2, $0x1  }
.Ltmp11:
0x105: {  	s6 =	spop @!p0 (v2sf);
	(pc) =	sbr.rel @!p2 .LBB2_16-.Ltmp11, $4  }
0x106: {  	p1 =	seq.s32 @!p0 s5, s6  }
0x107: {  	s6 =	simm.s32 $0x0;
	p1 =	por !p1, p0  }
0x108: {  	s8 =	simm.s32 $0xFFFFFFFF;
	s6 =	simm.s32 @p1 $0xFFFFFFFF  }
0x109: {  	s7 =	simm.s32 $0x1;
	s6 =	smov.u32 @p0 s8  }
.LBB2_15:
0x10a: {  	s8 =	smov.u32 s6;
	p0 =	sne.s32 s6, $0xFFFFFFFF  }
0x10b: {  	s0 =	sadd.s32 $0x1, s0;
	s6 =	smov.u32 s7;
	s7 =	sadd.s32 $0x1, s7  }
0x10c: {  	p1 =	sne.s32 s2, s7;
	v1 =	vld.msk @!p0 [tilespmem:s0+$0x0], $0x1;
	_ =	sdelay $0x4  }
0x10d: {  	(v2sf) =	vpush @!p0 v1, $0x0;
	_ =	sdelay $0xe  }
.Ltmp12:
0x10e: {  	s9 =	spop @!p0 (v2sf);
	(pc) =	sbr.rel @p1 .LBB2_15-.Ltmp12, $4  }
0x10f: {  	p2 =	seq.s32 @!p0 s5, s9  }
0x110: {  	p2 =	por !p2, p0  }
0x111: {  	s6 =	simm.s32 @p2 $0xFFFFFFFF  }
0x112: {  	s6 =	smov.u32 @p0 s8  }
.LBB2_16:
0x113: {  	p0 =	sne.s32 s6, $0xFFFFFFFF  }
.Ltmp13:
0x114: {  	_ = 	snop;
	(pc) =	sbr.rel @!p0 .LBB2_17-.Ltmp13, $1  }
0x115: {  	_ =	sdelay $0x3  }
0x116: {  	v0 =	vld.msk [tilespmem:s4+$0xE0], $0x1;
	v1 =	vmov s6  }
.Ltmp14:
0x117: {  	_ = 	snop;
	(pc) =	sbr.rel .LBB2_19-.Ltmp14, $2  }
0x118: {  	_ =	sdelay $0x2  }
0x119: {  	[tilespmem:v1+s3+$0x0], v0 =	vst.idx.ret.add.f32.msk $0x1, v0  }
.LBB2_20:
0x11a: {  	p0 =	slt.s32 s2, $0x1  }
.Ltmp15:
0x11b: {  	_ = 	snop;
	(pc) =	sbr.rel @p0 .LBB2_24-.Ltmp15, $3  }
0x11c: {  	_ =	sdelay $0x1  }
0x11d: {  	s0 =	simm.s32 $0x6  }
0x11e: {  	s3 =	simm.s32 $0x0;
	[sflag:s0] =	ssyncpa.u1 $0x1  }
0x11f: {  	s0 =	simm.s32 $0xC0  }
0x120: {  	v0 =	vld.msk [tilespmem:s0+$0x0], $0x1;
	_ =	sdelay $0x4  }
0x121: {  	(v2sf) =	vpush v0, $0x0;
	_ =	sdelay $0xe  }
0x122: {  	s2 =	sadd.s32 $0xFFFFFFFF, s2;
	s4 =	spop (v2sf)  }
0x123: {  	p1 =	sne.s32 s2, $0x0;
	p0 =	sgt.u32 s4, $0x27FF  }
.Ltmp16:
0x124: {  	s5 =	sshrl.u32 @!p0 s4, $0x3;
	(pc) =	sbr.rel @!p1 .LBB2_23-.Ltmp16, $4  }
0x125: {  	s0 =	simm.s32 $0xE0;
	s4 =	sand.u32 @!p0 $0x7, s4;
	s5 =	sadd.s32 @!p0 s1, s5  }
0x126: {  	[hbm4b:s5+s4] =	stream.linear.scatter @!p0 [tilespmem:s0], [sflag:$0x5], $0x1, $0x38;
	[tilespmem:$0x10C50] =	vst v63  }
0x127: {  	s5 =	simm.s32 $0x0  }
0x128: {  	s4 =	simm.s32 $0xC1;
	s5 =	simm.s32 @!p0 $0x4  }
.LBB2_22:
0x129: {  	v0 =	vld.msk [tilespmem:s4+$0x0], $0x1;
	s2 =	sadd.s32 $0xFFFFFFFF, s2;
	s3 =	sadd.s32 s3, s5  }
0x12a: {  	p0 =	sne.s32 s2, $0x0;
	_ =	sdelay $0x3  }
0x12b: {  	(v2sf) =	vpush v0, $0x0;
	_ =	sdelay $0xe  }
.Ltmp17:
0x12c: {  	s6 =	spop (v2sf);
	(pc) =	sbr.rel @p0 .LBB2_22-.Ltmp17, $4  }
0x12d: {  	s5 =	simm.s32 $0x0;
	p1 =	sgt.u32 s6, $0x27FF  }
0x12e: {  	s0 =	sadd.s32 $0x1, s0;
	s5 =	simm.s32 @!p1 $0x4;
	s7 =	sshrl.u32 @!p1 s6, $0x3  }
0x12f: {  	s4 =	sadd.s32 $0x1, s4;
	s6 =	sand.u32 @!p1 $0x7, s6;
	s7 =	sadd.s32 @!p1 s1, s7  }
0x130: {  	[hbm4b:s7+s6] =	stream.linear.scatter @!p1 [tilespmem:s0], [sflag:$0x5], $0x1, $0x38;
	[tilespmem:$0x10C50] =	vst v63  }
.LBB2_23:
0x131: {  	s0 =	sadd.s32 s3, s5  }
0x132: {  	s3 =	sshrl.u32 s0, $0x2  }
.LBB2_24:
0x133: {  	s0 =	simm.s32 $0x5  }
0x134: {  	_ =	swait.ge [sflag:s0], s3  }
0x135: {  	s1 =	ssub.s32 $0x0, s3;
	[sflag:s0] =	ssyncset.done $0x0  }
0x136: {  	[sflag:s0] =	ssyncadd.s32 s1  }
0x137: {  	[sflag:s0] =	ssyncpa.u1 $0x1  }
0x138: {  	s29 =	simm.s32 $0x1;
	_ =	sfence  }
0x139: {  	s30 =	simm.s32 $0x2;
	[sflag:s29] =	ssyncpa.u1 $0x1  }
0x13a: {  	[sflag:s30] =	ssyncpa.u1 $0x1  }
0x13b: {  	_ =	strace $0x90000047  }
0x13c: {  	[bflag:$0x2] =	sbarrier.arrive $0xFFFF  }
0x13d: {  	s31 =	rddreg [dreg:$0x1]  }
0x13e: {  	s0 =	sadd.s32 $0x100000, s31  }
0x13f: {  	[sflag:s0] =	ssyncadd.tile.s32 $0x1;
	_ =	shalt  }
.Lfunc_end2:
_tile_overlayer_lowered:
.L_overlay_start_2:
0x140: {  	(tag) =	ssettag $0x2  }
0x141: {  	s0 =	rddreg [dreg:$0x0];
	s2 =	stileid.u32  }
0x142: {  	s1 =	rddreg [dreg:$0x1];
	p0 =	sne.s32 s2, $0x0  }
0x143: {  	s3 =	rddreg [dreg:$0x2];
	[bflag:$0x3] =	sbarrier.arrive $0xFFFF;
	s2 =	simm.s32 @!p0 $0x1C01  }
0x144: {  	[timem:s3], [sflag:s2] =	dma.local @!p0 [hbm:s0], s1  }
0x145: {  	s0 =	simm.s32 @!p0 $0x1  }
0x146: {  	_ =	swait.ge @!p0 [sflag:s0], s1  }
0x147: {  	s1 =	ssub.s32 @!p0 $0x0, s1;
	[sflag:s0] =	ssyncset.done @!p0 $0x0  }
0x148: {  	[sflag:s0] =	ssyncadd.s32 @!p0 s1  }
0x149: {  	[bflag:$0x3] =	sbarrier.arrive $0xFFFF  }
0x14a: {  	_ =	shalt  }

// kernel: sparse-core-data-format-call.1.cloned.1.call-start
scs
called_computation.3_lowered:
.L_overlay_start_0:
0x0: {  	s2 =	sld [smem:$0x3FD9]  }
0x1: {  	s3 =	sld [smem:$0x3FFE];
	_ =	sdelay $0x1  }
0x2: {  	s1 =	srdreg.scid  }
0x3: {  	s0 =	sand.u32 $0x1, s1  }
0x4: {  	s18 =	sshll.u32 s0, $0xA;
	s2 =	sadd.s32 s3, s2  }
0x5: {  	s2 =	sadd.s32 s2, s18  }
0x6: {  	[smem:$0x3FB7] =	sst s2  }
0x7: {  	_ = 	snop  }
0x8: {  	(tm) =	ssettm $0x1  }
0x9: {  	s19 =	sld [smem:$0x3FFB];
	_ =	sdelay $0x3  }
0xa: {  	_ =	strace s19  }
0xb: {  	s2 =	sld [smem:$0x3FFC];
	_ =	sdelay $0x3  }
0xc: {  	_ =	strace s2  }
0xd: {  	s2 =	sld [smem:$0x3FFD];
	_ =	sdelay $0x3  }
0xe: {  	_ =	strace s2  }
0xf: {  	_ =	strace $0x8FFFFFFF  }
0x10: {  	s20 =	sld [smem:$0x3FDB];
	_ =	sdelay $0x1  }
0x11: {  	s21 =	simm.s32 $_scs_section_size  }
0x12: {  	s4 =	simm.s32 $_size__tile_overlayer_lowered;
	s5 =	simm.s32 $_tile_overlayer_lowered  }
0x13: {  	s6 =	simm.s32 $0x1BFF;
	s22 =	sshll.u32 s5, $0x1;
	s3 =	sadd.s32 s21, s20  }
0x14: {  	s23 =	simm.s32 $0x0;
	s4 =	sshll.u32 s4, $0x1;
	s5 =	sadd.s32 s22, s3  }
0x15: {  	[timem:s23], [sflag:s6] =	dma.local [hbm:s5], s4  }
0x16: {  	_ =	swait.ge [sflag:s6], s4  }
0x17: {  	s4 =	ssub.s32 $0x0, s4;
	[sflag:s6] =	ssyncset.done $0x0  }
0x18: {  	[sflag:s6] =	ssyncadd.s32 s4;
	_ =	sdelay $0x1  }
0x19: {  	s24 =	simm.s32 $0x1B8B  }
0x1a: {  	_ =	swait.ge [sflag:s24], $0x1  }
0x1b: {  	[sflag:s24] =	ssyncset.done $0x0  }
0x1c: {  	[sflag:s24] =	ssyncadd.s32 $0xFFFFFFFF  }
0x1d: {  	s4 =	sld [smem:$0x0]  }
0x1e: {  	s5 =	sand.u32 $0xFFFFFFFE, s1  }
0x1f: {  	p0 =	sne.s32 s1, s5  }
0x20: {  	s5 =	sshll.u32 @p0 s5, $0xE  }
0x21: {  	s5 =	sadd.s32 @p0 $0x11B8D, s5;
	s6 =	sshll.u32 @p0 s4, $0x11  }
0x22: {  	s5 =	sor.u32 @p0 s6, s5  }
0x23: {  	[sflag:s5] =	ssyncadd.remote.s32 @p0 $0x1;
	_ =	sdelay $0x1  }
0x24: {  	s5 =	simm.s32 @p0 $0x1B8D  }
0x25: {  	_ =	swait.eq @p0 [sflag:s5], $0x1  }
0x26: {  	[sflag:s5] =	ssyncadd.s32 @p0 $0xFFFFFFFF  }
0x27: {  	s6 =	sshll.u32 @!p0 s1, $0xE  }
0x28: {  	s6 =	sor.u32 @!p0 $0x4000, s6;
	s5 =	simm.s32 @!p0 $0x1B8D  }
0x29: {  	s4 =	sshll.u32 @!p0 s4, $0x11;
	s6 =	sadd.s32 @!p0 $0x11B8D, s6;
	_ =	swait.eq @!p0 [sflag:s5], $0x1  }
0x2a: {  	s4 =	sor.u32 @!p0 s4, s6;
	[sflag:s5] =	ssyncadd.s32 @!p0 $0xFFFFFFFF  }
0x2b: {  	s26 =	simm.s32 $0x1B8E;
	s25 =	sld [smem:$0x3FFE];
	[sflag:s4] =	ssyncadd.remote.s32 @!p0 $0x1  }
0x2c: {  	s27 =	simm.s32 $execute0_lowered;
	[smem:$0x3FD2] =	sst s26  }
0x2d: {  	s5 =	sshll.u32 s27, $0x1;
	_ =	strace $0x8000004C;
	[dreg:$0x1] =	wrdreg $0xFFFFFFFF  }
0x2e: {  	s28 =	simm.s32 $_size_execute0_lowered;
	s3 =	sadd.s32 s3, s5;
	[dreg:$0x0] =	wrdreg $0x0  }
0x2f: {  	s5 =	sshll.u32 s28, $0x1;
	[dreg:$0x2] =	wrdreg s3  }
0x30: {  	[dreg:$0x3] =	wrdreg s5  }
0x31: {  	[dreg:$0x4] =	wrdreg $0xC0  }
0x32: {  	_ =	task [dreg:s23], $0x5FFFF  }
0x33: {  	[dreg:$0x1] =	wrdreg $0xFFFFFFFF  }
0x34: {  	[dreg:$0x0] =	wrdreg $0x60  }
0x35: {  	[dreg:$0x2] =	wrdreg s25  }
0x36: {  	[dreg:$0x3] =	wrdreg $0xA  }
0x37: {  	_ =	task.clear_ibuf [dreg:s23], $0x4FFFF;
	_ =	strace $0x9000004C  }
0x38: {  	s29 =	simm.s32 $0xA;
	_ =	strace $0x8000004E  }
0x39: {  	_ =	swait.ge [sflag:s29], $0x1  }
0x3a: {  	[sflag:s29] =	ssyncadd.s32 $0xFFFFFFFF  }
0x3b: {  	_ =	strace $0x9000004E  }
0x3c: {  	_ =	sfence  }
0x3d: {  	s30 =	sld [smem:$0x0];
	_ =	sdelay $0x2  }
0x3e: {  	s31 =	sshll.u32 s1, $0xD;
	s1 =	sshrl.u32 s1, $0x2  }
0x3f: {  	s4 =	sand.u32 $0x4000, s31;
	s1 =	sadd.s32 s1, s30  }
0x40: {  	s0 =	sor.u32 s4, s0;
	s1 =	sshll.u32 s1, $0x11  }
0x41: {  	s0 =	sor.u32 s1, s0  }
0x42: {  	s0 =	sadd.s32 $0x8F2B, s0  }
0x43: {  	[sflag:s0] =	ssyncadd.remote.s32 $0x1  }
0x44: {  	_ =	sfence.sel $0xFFFF  }
0x45: {  	[dreg:$0x0] =	wrdreg $0xFFFFFFFF;
	(pc) =	sbr.abs _section_cstart, $3  }
0x46: {  	[dreg:$0x1] =	wrdreg $0xFFFFFFFF  }
0x47: {  	_ =	task.clear_ibuf [dreg:s23], $0x2FFFF;
	_ =	strace $0x9FFFFFFF  }
0x48: {  	(tm) =	ssettm $0x7FFFFFFF  }
0x49: {  	_ =	shalt  }
tec
execute0_lowered:
.L_overlay_start_1:
0x0: {  	(tag) =	ssettag $0x1  }
0x1: {  	s0 =	srdreg.scid  }
0x2: {  	s0 =	sshll.u32 s0, $0x4  }
0x3: {  	s1 =	stileid.u32;
	s0 =	sand.u32 $0x10, s0  }
0x4: {  	s0 =	sor.u32 s1, s0  }
0x5: {  	s29 =	rddreg [dreg:$0x0];
	s12 =	sshll.u32 s0, $0x7  }
0x6: {  	_ =	strace $0x8000004D;
	s2 =	simm.s32 $0x1;
	s0 =	ssub.s32 $0x2700, s12  }
0x7: {  	s30 =	simm.s32 $0x2;
	s15 =	simm.s32 $0x0;
	s0 =	sshrl.u32 s0, $0xC  }
0x8: {  	s14 =	simm.s32 $0x0;
	s3 =	sadd.s32 $0x2CFD200, s29;
	s0 =	smul.u32 $0x4F, s0  }
.Ltmp0:
0x9: {  	[dreg:$0x3] =	wrdreg s3;
	s1 =	sadd.s32 $0x1E16400, s29;
	(pc) =	sbr.rel .LBB1_1-.Ltmp0, $4  }
0xa: {  	s9 =	simm.s32 $0x0;
	s11 =	simm.s32 $0x0;
	[dreg:$0x4] =	wrdreg s1  }
0xb: {  	s10 =	simm.s32 $0x0;
	[dreg:$0x2] =	wrdreg s12;
	s31 =	sadd.s32 $0x4F, s0  }
0xc: {  	[sflag:s2] =	ssyncpa.u1 $0x0;
	s8 =	sadd.s32 $0x50, s0;
	[dreg:$0x5] =	wrdreg s31  }
0xd: {  	s13 =	simm.s32 $0x0;
	[sflag:s30] =	ssyncpa.u1 $0x0;
	[dreg:$0x6] =	wrdreg s8  }
.LBB1_12:
0xe: {  	s9 =	rddreg [dreg:$0x7]  }
0xf: {  	s1 =	sshll.u32 s11, $0x3;
	s25 =	sand.u32 $0x7F, s11;
	s5 =	rddreg [dreg:$0xb]  }
0x10: {  	p1 =	sgt.s32 s11, $0x2700;
	s26 =	rddreg [dreg:$0xa];
	s0 =	sshrl.u32 s9, $0x3  }
0x11: {  	s4 =	smov.u32 s11;
	s30 =	rddreg [dreg:$0x4];
	s0 =	smul.u32 $0x13C00, s0  }
0x12: {  	s31 =	simm.s32 $0x13C00;
	s1 =	sand.u32 $0xFFFFFC00, s1;
	s2 =	sshll.u32 s9, $0x7  }
0x13: {  	s8 =	rddreg [dreg:$0x6];
	s24 =	sand.u32 $0x380, s2;
	s0 =	sadd.s32 s1, s0  }
0x14: {  	p0 =	sgt.s32 s9, $0x2690;
	s3 =	smov.u32 s9;
	s0 =	sor.u32 s24, s0  }
0x15: {  	s4 =	simm.s32 @!p1 $0x2700;
	s1 =	sor.u32 s25, s0;
	s0 =	smulhi.u32 $0xCF6474A9, s0  }
0x16: {  	s3 =	simm.s32 @!p0 $0x2690;
	s4 =	sadd.s32 s26, s4;
	s2 =	smulhi.u32 $0xCF6474A9, s1  }
0x17: {  	s3 =	sadd.s32 s5, s3;
	s7 =	sadd.s32 $0xFFFFD900, s4;
	s0 =	sshrl.u32 s0, $0xD  }
0x18: {  	s4 =	ssub.s32 $0x2780, s4;
	s2 =	sshrl.u32 s2, $0xD;
	s27 =	smulhi.u32 $0x68DB9, s0  }
0x19: {  	s6 =	sadd.s32 $0xFFFFD970, s3;
	p1 =	sgt.s32 s7, $0x7F;
	s2 =	smul.u32 $0x2780, s2  }
0x1a: {  	s3 =	ssub.s32 $0x2710, s3;
	p0 =	sgt.s32 s6, $0x7F;
	s5 =	smul.u32 $0x2710, s27  }
0x1b: {  	s14 =	rddreg [dreg:$0x8];
	s4 =	simm.s32 @p1 $0x0;
	s3 =	simm.s32 @p0 $0x0  }
0x1c: {  	s28 =	smul.u32 s4, s3;
	s1 =	ssub.s32 s1, s2;
	s0 =	ssub.s32 s0, s5  }
0x1d: {  	s29 =	sshrl.u32 s1, $0x3;
	s1 =	sand.u32 $0x7, s1;
	s0 =	smul.u32 $0x4F0, s0  }
0x1e: {  	s15 =	rddreg [dreg:$0x9];
	s3 =	sadd.s32 s30, s29;
	s1 =	sshll.u32 s1, $0x12  }
0x1f: {  	s2 =	sand.u32 $0x3FFFFFFF, s28;
	s1 =	sor.u32 $0x400, s1;
	s0 =	sadd.s32 s0, s3  }
0x20: {  	[hbm4b:s0+s1] =	stream.strided.scatter [tilespmem:s18], [sflag:$0x2], s2, s31, s1, $0x20;
	[tilespmem:$0x10100] =	vst v63  }
.LBB1_13:
0x21: {  	p0 =	slt.u32 s13, $0x2  }
0x22: {  	s1 =	smov.u32 s15;
	s2 =	smov.u32 s14;
	p1 =	sgt.s32 @!p0 s15, $0x2690  }
0x23: {  	s0 =	sshra.s32 @!p0 s15, $0x1F;
	p2 =	sgt.s32 @!p0 s14, $0x2700;
	s3 =	sshra.s32 @!p0 s14, $0x1F  }
0x24: {  	p1 =	por !p1, p0;
	s0 =	sand.u32 @!p0 s0, s15;
	p2 =	por !p2, p0  }
0x25: {  	s3 =	sand.u32 @!p0 s3, s14;
	s1 =	simm.s32 @p1 $0x2690;
	s2 =	simm.s32 @p2 $0x2700  }
0x26: {  	s0 =	ssub.s32 @!p0 s1, s0;
	s1 =	ssub.s32 @!p0 s2, s3  }
0x27: {  	s2 =	sadd.s32 @!p0 $0xFFFFD970, s0;
	s3 =	sadd.s32 @!p0 $0xFFFFD900, s1  }
0x28: {  	s0 =	ssub.s32 @!p0 $0x2710, s0;
	p1 =	sgt.s32 @!p0 s2, $0x7F;
	p2 =	sgt.s32 @!p0 s3, $0x7F  }
0x29: {  	s1 =	ssub.s32 @!p0 $0x2780, s1;
	p1 =	por !p1, p0;
	p2 =	por !p2, p0  }
0x2a: {  	s0 =	simm.s32 @!p1 $0x0;
	s1 =	simm.s32 @!p2 $0x0  }
0x2b: {  	s0 =	smul.u32 @!p0 s1, s0  }
0x2c: {  	s4 =	smov.u32 s12;
	s2 =	simm.s32 @!p0 $0x2;
	s1 =	sadd.s32 $0x80, s10  }
0x2d: {  	s3 =	sadd.s32 $0x1000, s12;
	p1 =	sgt.s32 s1, $0x270F;
	s0 =	sand.u32 @!p0 $0x3FFFFFFF, s0  }
0x2e: {  	s4 =	smov.u32 @p1 s3;
	_ =	swait.ge @!p0 [sflag:s2], s0  }
0x2f: {  	s1 =	simm.s32 @p1 $0x0;
	p1 =	sgt.s32 s4, $0x270F;
	s3 =	rddreg [dreg:$0x2]  }
0x30: {  	s4 =	smov.u32 @p1 s3;
	p1 =	sne.s32 s13, s8  }
.Ltmp1:
0x31: {  	_ = 	snop;
	(pc) =	sbr.rel @!p1 .LBB1_14-.Ltmp1, $4  }
0x32: {  	s15 =	smov.u32 s9  }
0x33: {  	s14 =	smov.u32 s11;
	s9 =	smov.u32 s10;
	s11 =	smov.u32 s12  }
0x34: {  	s0 =	ssub.s32 @!p0 $0x0, s0;
	s10 =	smov.u32 s1;
	[sflag:s2] =	ssyncset.done @!p0 $0x0  }
0x35: {  	s13 =	sadd.s32 $0x1, s13;
	[sflag:s2] =	ssyncadd.s32 @!p0 s0;
	s12 =	smov.u32 s4  }
.LBB1_1:
0x36: {  	s0 =	rddreg [dreg:$0x5]  }
0x37: {  	s3 =	smov.u32 s12;
	s5 =	smov.u32 s10;
	p0 =	sge.u32 s13, s0  }
0x38: {  	s0 =	sshrl.u32 @!p0 s12, $0x3;
	s1 =	sshll.u32 @!p0 s10, $0x3;
	s2 =	sshll.u32 @!p0 s12, $0x7  }
0x39: {  	p1 =	sgt.s32 @!p0 s12, $0x2690;
	s4 =	sshra.s32 @!p0 s12, $0x1F;
	s6 =	sshra.s32 @!p0 s10, $0x1F  }
0x3a: {  	s0 =	smul.u32 @!p0 $0x13C00, s0;
	s1 =	sand.u32 @!p0 $0xFFFFFC00, s1;
	p1 =	por !p1, p0  }
0x3b: {  	s4 =	sand.u32 @!p0 s4, s12;
	s6 =	sand.u32 @!p0 s6, s10;
	s3 =	simm.s32 @p1 $0x2690  }
0x3c: {  	p1 =	sgt.s32 @!p0 s10, $0x2700;
	s0 =	sadd.s32 @!p0 s0, s1;
	s1 =	sand.u32 @!p0 $0x380, s2  }
0x3d: {  	s2 =	sand.u32 @!p0 $0x7F, s10;
	p1 =	por !p1, p0;
	s0 =	sor.u32 @!p0 s1, s0  }
0x3e: {  	s3 =	ssub.s32 @!p0 s3, s4;
	s5 =	simm.s32 @p1 $0x2700;
	s1 =	sor.u32 @!p0 s2, s0  }
0x3f: {  	s0 =	smulhi.u32 @!p0 $0xCF6474A9, s0;
	s4 =	ssub.s32 @!p0 s5, s6;
	s6 =	sadd.s32 @!p0 $0xFFFFD970, s3  }
0x40: {  	s3 =	ssub.s32 @!p0 $0x2710, s3;
	s2 =	smulhi.u32 @!p0 $0xCF6474A9, s1;
	s7 =	sadd.s32 @!p0 $0xFFFFD900, s4  }
0x41: {  	p1 =	sgt.s32 @!p0 s6, $0x7F;
	s4 =	ssub.s32 @!p0 $0x2780, s4;
	s0 =	sshrl.u32 @!p0 s0, $0xD  }
0x42: {  	p2 =	sgt.s32 @!p0 s7, $0x7F;
	s2 =	sshrl.u32 @!p0 s2, $0xD;
	s5 =	smulhi.u32 @!p0 $0x68DB9, s0  }
0x43: {  	p1 =	por !p1, p0;
	p2 =	por !p2, p0;
	s2 =	smul.u32 @!p0 $0x2780, s2  }
0x44: {  	s3 =	simm.s32 @!p1 $0x0;
	s4 =	simm.s32 @!p2 $0x0  }
0x45: {  	s5 =	smul.u32 @!p0 $0x2710, s5;
	s1 =	ssub.s32 @!p0 s1, s2;
	s2 =	sxor.u32 @!p0 $0xFFFFFFFF, s13  }
0x46: {  	s3 =	smul.u32 @!p0 s3, s4;
	s2 =	sshll.u32 @!p0 s2, $0xE  }
0x47: {  	s0 =	ssub.s32 @!p0 s0, s5;
	s4 =	sshrl.u32 @!p0 s1, $0x3;
	s1 =	sand.u32 @!p0 $0x7, s1  }
0x48: {  	s3 =	sand.u32 @!p0 $0x3FFFFFFF, s3;
	s5 =	rddreg [dreg:$0x3];
	s0 =	smul.u32 @!p0 $0x4F0, s0  }
0x49: {  	s2 =	sand.u32 @!p0 $0x4000, s2;
	s4 =	sadd.s32 @!p0 s5, s4;
	s1 =	sshll.u32 @!p0 s1, $0x12  }
0x4a: {  	s1 =	sor.u32 @!p0 $0x400, s1;
	s0 =	sadd.s32 @!p0 s0, s4;
	s4 =	simm.s32 @!p0 $0x13C00  }
0x4b: {  	[tilespmem:s2], [sflag:$0x1] =	stream.strided.gather @!p0 [hbm4b:s0+s1], s3, s4, s1, $0x38;
	[tilespmem:$0x10100] =	vst v63  }
0x4c: {  	p0 =	seq.s32 s13, $0x0  }
0x4d: {  	p1 =	sge.u32 @!p0 s13, s8  }
0x4e: {  	p0 =	por p0, p1  }
.Ltmp2:
0x4f: {  	_ = 	snop;
	(pc) =	sbr.rel @p0 .LBB1_13-.Ltmp2, $1  }
0x50: {  	_ =	sdelay $0x3  }
0x51: {  	s0 =	ssub.s32 $0x0, s11;
	s1 =	sshra.s32 s11, $0x1F;
	p0 =	sgt.s32 s11, $0x2690  }
0x52: {  	s2 =	smov.u32 s11;
	s25 =	ssub.s32 $0x0, s9;
	s26 =	sshra.s32 s9, $0x1F  }
0x53: {  	s3 =	smov.u32 s9;
	s2 =	simm.s32 @!p0 $0x2690;
	p0 =	sgt.s32 s9, $0x2700  }
0x54: {  	s4 =	sand.u32 s0, s1;
	s1 =	sand.u32 s25, s26;
	s3 =	simm.s32 @!p0 $0x2700  }
0x55: {  	s2 =	sadd.s32 s4, s2;
	[dreg:$0xb] =	wrdreg s1;
	s1 =	sadd.s32 s1, s3  }
0x56: {  	s27 =	sadd.s32 $0xFFFFD970, s2;
	s2 =	ssub.s32 $0x2710, s2;
	s28 =	sadd.s32 $0xFFFFD900, s1  }
0x57: {  	p0 =	sgt.s32 s27, $0x7F;
	s0 =	ssub.s32 $0x2780, s1;
	p1 =	sgt.s32 s28, $0x7F  }
0x58: {  	s2 =	simm.s32 @p0 $0x0;
	s0 =	simm.s32 @p1 $0x0  }
0x59: {  	s29 =	smul.u32 s2, s0;
	s2 =	sadd.s32 $0x80, s11  }
0x5a: {  	p0 =	slt.s32 s2, $0x2710  }
0x5b: {  	s2 =	simm.s32 @!p0 $0x2710  }
0x5c: {  	[dreg:$0x9] =	wrdreg s15;
	s19 =	ssub.s32 s2, s11  }
0x5d: {  	[dreg:$0x8] =	wrdreg s14;
	p0 =	slt.s32 s19, $0x1  }
.Ltmp3:
0x5e: {  	[dreg:$0x7] =	wrdreg s9;
	s30 =	simm.s32 $0x1;
	(pc) =	sbr.rel @p0 .LBB1_12-.Ltmp3, $4  }
0x5f: {  	[dreg:$0xa] =	wrdreg s4;
	s0 =	sand.u32 $0x1, s13;
	s1 =	sand.u32 $0x3FFFFFFF, s29  }
0x60: {  	s31 =	smul.u32 $0x4080, s0;
	_ =	swait.ge [sflag:s30], s1  }
0x61: {  	s1 =	ssub.s32 $0x0, s1;
	[sflag:s30] =	ssyncset.done $0x0  }
0x62: {  	s18 =	sor.u32 $0x8000, s31;
	[sflag:s30] =	ssyncadd.s32 s1  }
0x63: {  	s2 =	rddreg [dreg:$0x7]  }
0x64: {  	s1 =	sadd.s32 $0x80, s2  }
0x65: {  	p0 =	slt.s32 s1, $0x2710  }
.Ltmp4:
0x66: {  	s1 =	simm.s32 @!p0 $0x2710;
	(pc) =	sbr.rel .LBB1_4-.Ltmp4, $4  }
0x67: {  	s22 =	sshll.u32 s0, $0xE;
	s1 =	ssub.s32 s1, s2  }
0x68: {  	s24 =	simm.s32 $0x0;
	s25 =	simm.s32 $0x400;
	s1 =	sadd.s32 $0xF, s1  }
0x69: {  	s20 =	sand.u32 $0xFFFFFFF0, s1;
	s21 =	sand.u32 $0xFFFFFF00, s1;
	s31 =	sshll.u32 s1, $0x3  }
0x6a: {  	p0 =	slt.s32 s1, $0x100;
	s23 =	sand.u32 $0xFFFFF800, s31;
	p1 =	sge.s32 s21, s20  }
.LBB1_11:
0x6b: {  	s24 =	sadd.s32 $0x1, s24  }
0x6c: {  	p2 =	sne.s32 s24, s19  }
.Ltmp5:
0x6d: {  	_ = 	snop;
	(pc) =	sbr.rel @!p2 .LBB1_12-.Ltmp5, $2  }
0x6e: {  	_ =	sdelay $0x2  }
0x6f: {  	s25 =	sadd.s32 $0x80, s25  }
.LBB1_4:
.Ltmp6:
0x70: {  	(pc) =	sbr.rel @p0 .LBB1_8-.Ltmp6, $2  }
0x71: {  	_ =	sdelay $0x2  }
0x72: {  	s26 =	sshll.u32 s24, $0x7;
	s27 =	sand.u32 $0x7F, s24  }
0x73: {  	s0 =	sshll.u32 s24, $0x3  }
0x74: {  	s5 =	sand.u32 $0x380, s26;
	s2 =	sshrl.u32 s0, $0x7  }
0x75: {  	s3 =	sadd.s32 $0x800, s0;
	s6 =	sadd.s32 $0x1000, s0;
	s17 =	sadd.s32 s5, s22  }
0x76: {  	s16 =	sadd.s32 $0x1800, s0;
	s7 =	sadd.s32 $0x2800, s0;
	s14 =	sadd.s32 $0x3000, s0  }
0x77: {  	s0 =	sadd.s32 $0x3800, s0;
	s1 =	sand.u32 $0x78, s2;
	s3 =	sshrl.u32 s3, $0x7  }
0x78: {  	s15 =	sshrl.u32 s6, $0x7;
	s6 =	sshrl.u32 s16, $0x7;
	s8 =	sshrl.u32 s7, $0x7  }
0x79: {  	s16 =	sshrl.u32 s0, $0x7;
	s4 =	smul.u32 $0x204, s1;
	s3 =	sand.u32 $0x78, s3  }
0x7a: {  	s7 =	sadd.s32 $0x20, s2;
	v0 =	vmov s17;
	s17 =	sand.u32 $0x3C00, s25;
	s3 =	smul.u32 $0x204, s3  }
0x7b: {  	s5 =	sand.u32 $0x78, s15;
	s1 =	sxor.u32 $0x40, s1;
	s15 =	sshrl.u32 s14, $0x7  }
0x7c: {  	s5 =	smul.u32 $0x204, s5;
	s4 =	sshrl.u32 s4, $0x2;
	s3 =	sshrl.u32 s3, $0x2  }
0x7d: {  	s1 =	smul.u32 $0x204, s1;
	s4 =	sadd.s32 s4, s18;
	s3 =	sadd.s32 s3, s18  }
0x7e: {  	s28 =	sadd.s32 s27, s4;
	s4 =	sand.u32 $0x78, s6;
	s6 =	sshrl.u32 s5, $0x2  }
0x7f: {  	s29 =	sadd.s32 s27, s3;
	s3 =	smul.u32 $0x204, s4;
	s4 =	sadd.s32 s6, s18  }
0x80: {  	s14 =	sand.u32 $0x78, s7;
	s30 =	sadd.s32 s27, s4;
	s4 =	sand.u32 $0x78, s8  }
0x81: {  	s7 =	sadd.s32 $0x30, s2;
	s1 =	sshrl.u32 s1, $0x2;
	s4 =	smul.u32 $0x204, s4  }
0x82: {  	s9 =	sadd.s32 s1, s18;
	s5 =	sand.u32 $0x78, s16;
	s3 =	sshrl.u32 s3, $0x2  }
0x83: {  	s31 =	sadd.s32 s27, s9;
	s3 =	sadd.s32 s3, s18;
	s4 =	sshrl.u32 s4, $0x2  }
0x84: {  	s1 =	sadd.s32 s27, s3;
	s3 =	sand.u32 $0x78, s15;
	s4 =	sadd.s32 s4, s18  }
0x85: {  	s6 =	sadd.s32 $0x10, s2;
	s3 =	smul.u32 $0x204, s3;
	s0 =	sadd.s32 s27, s4  }
0x86: {  	s4 =	smul.u32 $0x204, s5;
	s5 =	sand.u32 $0x78, s6;
	s6 =	sand.u32 $0x78, s7  }
0x87: {  	s7 =	sadd.s32 $0x50, s2;
	s3 =	sshrl.u32 s3, $0x2;
	s5 =	smul.u32 $0x204, s5  }
0x88: {  	s6 =	smul.u32 $0x204, s6;
	s7 =	sand.u32 $0x78, s7;
	s3 =	sadd.s32 s3, s18  }
0x89: {  	s9 =	sshrl.u32 s4, $0x2;
	s4 =	smul.u32 $0x204, s14;
	s14 =	sadd.s32 $0x60, s2  }
0x8a: {  	s7 =	smul.u32 $0x204, s7;
	s2 =	sadd.s32 $0x70, s2;
	s8 =	sadd.s32 s27, s3  }
0x8b: {  	s3 =	sadd.s32 s9, s18;
	s15 =	sshrl.u32 s5, $0x2;
	s14 =	sand.u32 $0x78, s14  }
0x8c: {  	s6 =	sshrl.u32 s6, $0x2;
	s2 =	sand.u32 $0x78, s2;
	s5 =	sadd.s32 s27, s3  }
0x8d: {  	v1 =	vld.idx.msk [tilespmem:v0+s17+$0x0 ss:$0x1], $0xffff;
	s16 =	sadd.s32 s15, s18;
	s4 =	sshrl.u32 s4, $0x2;
	s14 =	smul.u32 $0x204, s14  }
0x8e: {  	s2 =	smul.u32 $0x204, s2;
	s7 =	sshrl.u32 s7, $0x2;
	s4 =	sadd.s32 s4, s18  }
0x8f: {  	s15 =	sadd.s32 s6, s18;
	s7 =	sadd.s32 s7, s18;
	s3 =	sadd.s32 s27, s4  }
0x90: {  	s4 =	sadd.s32 s27, s15;
	s14 =	sshrl.u32 s14, $0x2;
	s2 =	sshrl.u32 s2, $0x2  }
0x91: {  	s15 =	sadd.s32 $0xFFFFFC00, s25;
	s14 =	sadd.s32 s14, s18;
	s9 =	sadd.s32 s2, s18  }
0x92: {  	[tilespmem:s28+$0x0 ss:$0x81] =	vst.msk $0xffff, v1;
	v1 =	vld.idx.msk [tilespmem:v0+s17+$0x20 ss:$0x1], $0xffff;
	s2 =	sadd.s32 s27, s7;
	s7 =	sadd.s32 s27, s14;
	s14 =	sand.u32 $0x3C00, s15  }
0x93: {  	v2 =	vld.idx.msk [tilespmem:v0+s14+$0x70 ss:$0x1], $0xffff  }
0x94: {  	v3 =	vld.idx.msk [tilespmem:v0+s14+$0x0 ss:$0x1], $0xffff  }
0x95: {  	v4 =	vld.idx.msk [tilespmem:v0+s14+$0x10 ss:$0x1], $0xffff  }
0x96: {  	v5 =	vld.idx.msk [tilespmem:v0+s14+$0x20 ss:$0x1], $0xffff  }
0x97: {  	v6 =	vld.idx.msk [tilespmem:v0+s14+$0x30 ss:$0x1], $0xffff  }
0x98: {  	v7 =	vld.idx.msk [tilespmem:v0+s14+$0x40 ss:$0x1], $0xffff;
	[tilespmem:s5+$0x0 ss:$0x81] =	vst.msk $0xffff, v2  }
0x99: {  	v8 =	vld.idx.msk [tilespmem:v0+s14+$0x50 ss:$0x1], $0xffff;
	[tilespmem:s28+$0x0 ss:$0x81] =	vst.msk $0xffff, v3  }
0x9a: {  	p2 =	sgt.s32 s21, $0x100;
	v9 =	vld.idx.msk [tilespmem:v0+s14+$0x60 ss:$0x1], $0xffff;
	[tilespmem:s29+$0x0 ss:$0x81] =	vst.msk $0xffff, v4  }
.Ltmp7:
0x9b: {  	v4 =	vld.idx.msk [tilespmem:v0+s17+$0x10 ss:$0x1], $0xffff;
	[tilespmem:s30+$0x0 ss:$0x81] =	vst.msk $0xffff, v5;
	(pc) =	sbr.rel @!p2 .LBB1_7-.Ltmp7, $4  }
0x9c: {  	[tilespmem:s1+$0x0 ss:$0x81] =	vst.msk $0xffff, v6;
	v2 =	vld.idx.msk [tilespmem:v0+s17+$0x30 ss:$0x1], $0xffff  }
0x9d: {  	[tilespmem:s31+$0x0 ss:$0x81] =	vst.msk $0xffff, v7;
	v3 =	vld.idx.msk [tilespmem:v0+s17+$0x40 ss:$0x1], $0xffff  }
0x9e: {  	s6 =	sadd.s32 s27, s16;
	[tilespmem:s0+$0x0 ss:$0x81] =	vst.msk $0xffff, v8;
	v5 =	vld.idx.msk [tilespmem:v0+s17+$0x50 ss:$0x1], $0xffff  }
0x9f: {  	s16 =	sadd.s32 s27, s9;
	s15 =	sadd.s32 $0x800, s25;
	s14 =	simm.s32 $0x100;
	[tilespmem:s8+$0x0 ss:$0x81] =	vst.msk $0xffff, v9;
	v6 =	vld.idx.msk [tilespmem:v0+s17+$0x60 ss:$0x1], $0xffff  }
.LBB1_6:
0xa0: {  	s9 =	sadd.s32 $0xFFFFFC00, s15;
	s14 =	sadd.s32 $0x100, s14;
	[tilespmem:s6+$0x0 ss:$0x81] =	vst.msk $0xffff, v4;
	v4 =	vld.idx.msk [tilespmem:v0+s17+$0x70 ss:$0x1], $0xffff;
	s17 =	sand.u32 $0x3C00, s15  }
0xa1: {  	s9 =	sand.u32 $0x3C00, s9;
	v7 =	vld.idx.msk [tilespmem:v0+s17+$0x0 ss:$0x1], $0xffff;
	p2 =	slt.s32 s14, s21;
	[tilespmem:s3+$0x0 ss:$0x81] =	vst.msk $0xffff, v1  }
0xa2: {  	v1 =	vld.idx.msk [tilespmem:v0+s9+$0x70 ss:$0x1], $0xffff;
	[tilespmem:s4+$0x0 ss:$0x81] =	vst.msk $0xffff, v2  }
0xa3: {  	v2 =	vld.idx.msk [tilespmem:v0+s9+$0x0 ss:$0x1], $0xffff;
	[tilespmem:s31+$0x0 ss:$0x81] =	vst.msk $0xffff, v3  }
0xa4: {  	v3 =	vld.idx.msk [tilespmem:v0+s9+$0x10 ss:$0x1], $0xffff;
	[tilespmem:s2+$0x0 ss:$0x81] =	vst.msk $0xffff, v5  }
0xa5: {  	v5 =	vld.idx.msk [tilespmem:v0+s9+$0x20 ss:$0x1], $0xffff;
	[tilespmem:s7+$0x0 ss:$0x81] =	vst.msk $0xffff, v6  }
0xa6: {  	v6 =	vld.idx.msk [tilespmem:v0+s9+$0x30 ss:$0x1], $0xffff;
	[tilespmem:s16+$0x0 ss:$0x81] =	vst.msk $0xffff, v4  }
0xa7: {  	v8 =	vld.idx.msk [tilespmem:v0+s9+$0x40 ss:$0x1], $0xffff;
	[tilespmem:s28+$0x0 ss:$0x81] =	vst.msk $0xffff, v7  }
0xa8: {  	v7 =	vld.idx.msk [tilespmem:v0+s9+$0x50 ss:$0x1], $0xffff;
	[tilespmem:s5+$0x0 ss:$0x81] =	vst.msk $0xffff, v1  }
0xa9: {  	[tilespmem:s28+$0x0 ss:$0x81] =	vst.msk $0xffff, v2;
	v9 =	vld.idx.msk [tilespmem:v0+s9+$0x60 ss:$0x1], $0xffff  }
0xaa: {  	[tilespmem:s29+$0x0 ss:$0x81] =	vst.msk $0xffff, v3;
	v4 =	vld.idx.msk [tilespmem:v0+s17+$0x10 ss:$0x1], $0xffff  }
.Ltmp8:
0xab: {  	[tilespmem:s30+$0x0 ss:$0x81] =	vst.msk $0xffff, v5;
	v1 =	vld.idx.msk [tilespmem:v0+s17+$0x20 ss:$0x1], $0xffff;
	(pc) =	sbr.rel @p2 .LBB1_6-.Ltmp8, $4  }
0xac: {  	[tilespmem:s1+$0x0 ss:$0x81] =	vst.msk $0xffff, v6;
	v2 =	vld.idx.msk [tilespmem:v0+s17+$0x30 ss:$0x1], $0xffff  }
0xad: {  	[tilespmem:s31+$0x0 ss:$0x81] =	vst.msk $0xffff, v8;
	v3 =	vld.idx.msk [tilespmem:v0+s17+$0x40 ss:$0x1], $0xffff  }
0xae: {  	[tilespmem:s0+$0x0 ss:$0x81] =	vst.msk $0xffff, v7;
	v5 =	vld.idx.msk [tilespmem:v0+s17+$0x50 ss:$0x1], $0xffff  }
0xaf: {  	s15 =	sadd.s32 $0x800, s15;
	[tilespmem:s8+$0x0 ss:$0x81] =	vst.msk $0xffff, v9;
	v6 =	vld.idx.msk [tilespmem:v0+s17+$0x60 ss:$0x1], $0xffff  }
.LBB1_7:
0xb0: {  	_ =	sdelay $0x2  }
0xb1: {  	[tilespmem:s6+$0x0 ss:$0x81] =	vst.msk $0xffff, v4  }
0xb2: {  	v0 =	vld.idx.msk [tilespmem:v0+s17+$0x70 ss:$0x1], $0xffff;
	[tilespmem:s3+$0x0 ss:$0x81] =	vst.msk $0xffff, v1  }
0xb3: {  	[tilespmem:s4+$0x0 ss:$0x81] =	vst.msk $0xffff, v2  }
0xb4: {  	[tilespmem:s31+$0x0 ss:$0x81] =	vst.msk $0xffff, v3  }
0xb5: {  	[tilespmem:s2+$0x0 ss:$0x81] =	vst.msk $0xffff, v5  }
0xb6: {  	[tilespmem:s7+$0x0 ss:$0x81] =	vst.msk $0xffff, v6  }
0xb7: {  	[tilespmem:s16+$0x0 ss:$0x81] =	vst.msk $0xffff, v0  }
.LBB1_8:
.Ltmp9:
0xb8: {  	(pc) =	sbr.rel @p1 .LBB1_11-.Ltmp9, $1  }
0xb9: {  	_ =	sdelay $0x3  }
0xba: {  	s1 =	sand.u32 $0x380, s26;
	s0 =	sshrl.u32 s24, $0x4;
	s2 =	sadd.s32 s27, s18  }
0xbb: {  	s3 =	smov.u32 s23;
	s4 =	smov.u32 s21;
	s1 =	sadd.s32 s1, s22  }
.LBB1_10:
0xbc: {  	s5 =	sand.u32 $0x3C00, s3  }
0xbd: {  	s5 =	sadd.s32 s26, s5  }
0xbe: {  	s5 =	sand.u32 $0x3C00, s5  }
0xbf: {  	s6 =	sand.u32 $0x70, s4;
	s30 =	sadd.s32 s4, s0;
	s5 =	sadd.s32 s5, s1  }
0xc0: {  	s4 =	sadd.s32 $0x10, s4;
	s31 =	sand.u32 $0x78, s30;
	s5 =	sadd.s32 s6, s5  }
0xc1: {  	p2 =	slt.s32 s4, s20;
	v0 =	vld [tilespmem:s5+$0x0];
	s5 =	smul.u32 $0x204, s31  }
.Ltmp10:
0xc2: {  	_ = 	snop;
	(pc) =	sbr.rel @p2 .LBB1_10-.Ltmp10, $4  }
0xc3: {  	_ = 	snop  }
0xc4: {  	s5 =	sshrl.u32 s5, $0x2  }
0xc5: {  	s5 =	sadd.s32 s5, s2  }
0xc6: {  	s3 =	sadd.s32 $0x80, s3;
	[tilespmem:s5+$0x0 ss:$0x81] =	vst.msk $0xffff, v0  }
.Ltmp11:
0xc7: {  	_ = 	snop;
	(pc) =	sbr.rel .LBB1_11-.Ltmp11, $1  }
0xc8: {  	_ =	sdelay $0x3  }
.LBB1_14:
0xc9: {  	_ =	sfence.sel $0x180000  }
0xca: {  	s0 =	simm.s32 $0x1;
	[bflag:$0x0] =	sbarrier.arrive $0xFFFF  }
0xcb: {  	s30 =	simm.s32 $0x2;
	[sflag:s0] =	ssyncpa.u1 $0x1  }
0xcc: {  	[sflag:s30] =	ssyncpa.u1 $0x1  }
0xcd: {  	_ =	strace $0x9000004D  }
0xce: {  	s31 =	stileid.u32;
	[bflag:$0x2] =	sbarrier.arrive $0xFFFF  }
0xcf: {  	p0 =	sne.s32 s31, $0x0;
	s0 =	rddreg [dreg:$0x1]  }
0xd0: {  	s0 =	sadd.s32 @!p0 $0x100000, s0  }
0xd1: {  	[sflag:s0] =	ssyncadd.tile.s32 @!p0 $0x1;
	_ =	shalt  }
.Lfunc_end1:
_tile_overlayer_lowered:
.L_overlay_start_2:
0xd2: {  	(tag) =	ssettag $0x2  }
0xd3: {  	s0 =	rddreg [dreg:$0x0];
	s2 =	stileid.u32  }
0xd4: {  	s1 =	rddreg [dreg:$0x1];
	p0 =	sne.s32 s2, $0x0  }
0xd5: {  	s3 =	rddreg [dreg:$0x2];
	[bflag:$0x3] =	sbarrier.arrive $0xFFFF;
	s2 =	simm.s32 @!p0 $0x1C01  }
0xd6: {  	[timem:s3], [sflag:s2] =	dma.local @!p0 [hbm:s0], s1  }
0xd7: {  	s0 =	simm.s32 @!p0 $0x1  }
0xd8: {  	_ =	swait.ge @!p0 [sflag:s0], s1  }
0xd9: {  	s1 =	ssub.s32 @!p0 $0x0, s1;
	[sflag:s0] =	ssyncset.done @!p0 $0x0  }
0xda: {  	[sflag:s0] =	ssyncadd.s32 @!p0 s1  }
0xdb: {  	[bflag:$0x3] =	sbarrier.arrive $0xFFFF  }
0xdc: {  	_ =	shalt  }

// kernel: sparse-core-data-format-call.cloned.1.call-start
scs
called_computation.2_lowered:
.L_overlay_start_0:
0x0: {  	s2 =	sld [smem:$0x3FD9]  }
0x1: {  	s3 =	sld [smem:$0x3FFE];
	_ =	sdelay $0x1  }
0x2: {  	s1 =	srdreg.scid  }
0x3: {  	s0 =	sand.u32 $0x1, s1  }
0x4: {  	s18 =	sshll.u32 s0, $0xA;
	s2 =	sadd.s32 s3, s2  }
0x5: {  	s2 =	sadd.s32 s2, s18  }
0x6: {  	[smem:$0x3FB7] =	sst s2  }
0x7: {  	_ = 	snop  }
0x8: {  	(tm) =	ssettm $0x1  }
0x9: {  	s19 =	sld [smem:$0x3FFB];
	_ =	sdelay $0x3  }
0xa: {  	_ =	strace s19  }
0xb: {  	s2 =	sld [smem:$0x3FFC];
	_ =	sdelay $0x3  }
0xc: {  	_ =	strace s2  }
0xd: {  	s2 =	sld [smem:$0x3FFD];
	_ =	sdelay $0x3  }
0xe: {  	_ =	strace s2  }
0xf: {  	_ =	strace $0x8FFFFFFF  }
0x10: {  	s20 =	sld [smem:$0x3FDB];
	_ =	sdelay $0x1  }
0x11: {  	s21 =	simm.s32 $_scs_section_size  }
0x12: {  	s4 =	simm.s32 $_size__tile_overlayer_lowered;
	s5 =	simm.s32 $_tile_overlayer_lowered  }
0x13: {  	s6 =	simm.s32 $0x1BFF;
	s22 =	sshll.u32 s5, $0x1;
	s3 =	sadd.s32 s21, s20  }
0x14: {  	s23 =	simm.s32 $0x0;
	s4 =	sshll.u32 s4, $0x1;
	s5 =	sadd.s32 s22, s3  }
0x15: {  	[timem:s23], [sflag:s6] =	dma.local [hbm:s5], s4  }
0x16: {  	_ =	swait.ge [sflag:s6], s4  }
0x17: {  	s4 =	ssub.s32 $0x0, s4;
	[sflag:s6] =	ssyncset.done $0x0  }
0x18: {  	[sflag:s6] =	ssyncadd.s32 s4;
	_ =	sdelay $0x1  }
0x19: {  	s24 =	simm.s32 $0x1B8B  }
0x1a: {  	_ =	swait.ge [sflag:s24], $0x1  }
0x1b: {  	[sflag:s24] =	ssyncset.done $0x0  }
0x1c: {  	[sflag:s24] =	ssyncadd.s32 $0xFFFFFFFF  }
0x1d: {  	s4 =	sld [smem:$0x0]  }
0x1e: {  	s5 =	sand.u32 $0xFFFFFFFE, s1  }
0x1f: {  	p0 =	sne.s32 s1, s5  }
0x20: {  	s5 =	sshll.u32 @p0 s5, $0xE  }
0x21: {  	s5 =	sadd.s32 @p0 $0x11B8D, s5;
	s6 =	sshll.u32 @p0 s4, $0x11  }
0x22: {  	s5 =	sor.u32 @p0 s6, s5  }
0x23: {  	[sflag:s5] =	ssyncadd.remote.s32 @p0 $0x1;
	_ =	sdelay $0x1  }
0x24: {  	s5 =	simm.s32 @p0 $0x1B8D  }
0x25: {  	_ =	swait.eq @p0 [sflag:s5], $0x1  }
0x26: {  	[sflag:s5] =	ssyncadd.s32 @p0 $0xFFFFFFFF  }
0x27: {  	s6 =	sshll.u32 @!p0 s1, $0xE  }
0x28: {  	s6 =	sor.u32 @!p0 $0x4000, s6;
	s5 =	simm.s32 @!p0 $0x1B8D  }
0x29: {  	s4 =	sshll.u32 @!p0 s4, $0x11;
	s6 =	sadd.s32 @!p0 $0x11B8D, s6;
	_ =	swait.eq @!p0 [sflag:s5], $0x1  }
0x2a: {  	s4 =	sor.u32 @!p0 s4, s6;
	[sflag:s5] =	ssyncadd.s32 @!p0 $0xFFFFFFFF  }
0x2b: {  	s26 =	simm.s32 $0x1B8E;
	s25 =	sld [smem:$0x3FFE];
	[sflag:s4] =	ssyncadd.remote.s32 @!p0 $0x1  }
0x2c: {  	s27 =	simm.s32 $execute0_lowered;
	[smem:$0x3FD2] =	sst s26  }
0x2d: {  	s5 =	sshll.u32 s27, $0x1;
	_ =	strace $0x80000049;
	[dreg:$0x1] =	wrdreg $0xFFFFFFFF  }
0x2e: {  	s28 =	simm.s32 $_size_execute0_lowered;
	s3 =	sadd.s32 s3, s5;
	[dreg:$0x0] =	wrdreg $0x0  }
0x2f: {  	s5 =	sshll.u32 s28, $0x1;
	[dreg:$0x2] =	wrdreg s3  }
0x30: {  	[dreg:$0x3] =	wrdreg s5  }
0x31: {  	[dreg:$0x4] =	wrdreg $0xC0  }
0x32: {  	_ =	task [dreg:s23], $0x5FFFF  }
0x33: {  	[dreg:$0x1] =	wrdreg $0xFFFFFFFF  }
0x34: {  	[dreg:$0x0] =	wrdreg $0x60  }
0x35: {  	[dreg:$0x2] =	wrdreg s25  }
0x36: {  	[dreg:$0x3] =	wrdreg $0x9  }
0x37: {  	_ =	task.clear_ibuf [dreg:s23], $0x4FFFF;
	_ =	strace $0x90000049  }
0x38: {  	s29 =	simm.s32 $0x9;
	_ =	strace $0x8000004B  }
0x39: {  	_ =	swait.ge [sflag:s29], $0x1  }
0x3a: {  	[sflag:s29] =	ssyncadd.s32 $0xFFFFFFFF  }
0x3b: {  	_ =	strace $0x9000004B  }
0x3c: {  	_ =	sfence  }
0x3d: {  	s30 =	sld [smem:$0x0];
	_ =	sdelay $0x2  }
0x3e: {  	s31 =	sshll.u32 s1, $0xD;
	s1 =	sshrl.u32 s1, $0x2  }
0x3f: {  	s4 =	sand.u32 $0x4000, s31;
	s1 =	sadd.s32 s1, s30  }
0x40: {  	s0 =	sor.u32 s4, s0;
	s1 =	sshll.u32 s1, $0x11  }
0x41: {  	s0 =	sor.u32 s1, s0  }
0x42: {  	s0 =	sadd.s32 $0x8F2B, s0  }
0x43: {  	[sflag:s0] =	ssyncadd.remote.s32 $0x1  }
0x44: {  	_ =	sfence.sel $0xFFFF  }
0x45: {  	[dreg:$0x0] =	wrdreg $0xFFFFFFFF;
	(pc) =	sbr.abs _section_cstart, $3  }
0x46: {  	[dreg:$0x1] =	wrdreg $0xFFFFFFFF  }
0x47: {  	_ =	task.clear_ibuf [dreg:s23], $0x2FFFF;
	_ =	strace $0x9FFFFFFF  }
0x48: {  	(tm) =	ssettm $0x7FFFFFFF  }
0x49: {  	_ =	shalt  }
tec
execute0_lowered:
.L_overlay_start_1:
0x0: {  	(tag) =	ssettag $0x1  }
0x1: {  	s0 =	srdreg.scid  }
0x2: {  	s0 =	sshll.u32 s0, $0x4  }
0x3: {  	s1 =	stileid.u32;
	s0 =	sand.u32 $0x10, s0  }
0x4: {  	s0 =	sor.u32 s1, s0  }
0x5: {  	s29 =	rddreg [dreg:$0x0];
	s12 =	sshll.u32 s0, $0x7  }
0x6: {  	_ =	strace $0x8000004A;
	s2 =	simm.s32 $0x1;
	s0 =	ssub.s32 $0x2700, s12  }
0x7: {  	s30 =	simm.s32 $0x2;
	s15 =	simm.s32 $0x0;
	s0 =	sshrl.u32 s0, $0xC  }
0x8: {  	s14 =	simm.s32 $0x0;
	s3 =	sadd.s32 $0x1208400, s29;
	s0 =	smul.u32 $0x4F, s0  }
.Ltmp0:
0x9: {  	[dreg:$0x3] =	wrdreg s3;
	s1 =	sadd.s32 $0x38000, s29;
	(pc) =	sbr.rel .LBB1_1-.Ltmp0, $4  }
0xa: {  	s9 =	simm.s32 $0x0;
	s11 =	simm.s32 $0x0;
	[dreg:$0x4] =	wrdreg s1  }
0xb: {  	s10 =	simm.s32 $0x0;
	[dreg:$0x2] =	wrdreg s12;
	s31 =	sadd.s32 $0x4F, s0  }
0xc: {  	[sflag:s2] =	ssyncpa.u1 $0x0;
	s8 =	sadd.s32 $0x50, s0;
	[dreg:$0x5] =	wrdreg s31  }
0xd: {  	s13 =	simm.s32 $0x0;
	[sflag:s30] =	ssyncpa.u1 $0x0;
	[dreg:$0x6] =	wrdreg s8  }
.LBB1_12:
0xe: {  	s9 =	rddreg [dreg:$0x7]  }
0xf: {  	s1 =	sshll.u32 s11, $0x3;
	s25 =	sand.u32 $0x7F, s11;
	s5 =	rddreg [dreg:$0xb]  }
0x10: {  	p1 =	sgt.s32 s11, $0x2700;
	s26 =	rddreg [dreg:$0xa];
	s0 =	sshrl.u32 s9, $0x3  }
0x11: {  	s4 =	smov.u32 s11;
	s30 =	rddreg [dreg:$0x4];
	s0 =	smul.u32 $0x13C00, s0  }
0x12: {  	s31 =	simm.s32 $0x13C00;
	s1 =	sand.u32 $0xFFFFFC00, s1;
	s2 =	sshll.u32 s9, $0x7  }
0x13: {  	s8 =	rddreg [dreg:$0x6];
	s24 =	sand.u32 $0x380, s2;
	s0 =	sadd.s32 s1, s0  }
0x14: {  	p0 =	sgt.s32 s9, $0x2690;
	s3 =	smov.u32 s9;
	s0 =	sor.u32 s24, s0  }
0x15: {  	s4 =	simm.s32 @!p1 $0x2700;
	s1 =	sor.u32 s25, s0;
	s0 =	smulhi.u32 $0xCF6474A9, s0  }
0x16: {  	s3 =	simm.s32 @!p0 $0x2690;
	s4 =	sadd.s32 s26, s4;
	s2 =	smulhi.u32 $0xCF6474A9, s1  }
0x17: {  	s3 =	sadd.s32 s5, s3;
	s7 =	sadd.s32 $0xFFFFD900, s4;
	s0 =	sshrl.u32 s0, $0xD  }
0x18: {  	s4 =	ssub.s32 $0x2780, s4;
	s2 =	sshrl.u32 s2, $0xD;
	s27 =	smulhi.u32 $0x68DB9, s0  }
0x19: {  	s6 =	sadd.s32 $0xFFFFD970, s3;
	p1 =	sgt.s32 s7, $0x7F;
	s2 =	smul.u32 $0x2780, s2  }
0x1a: {  	s3 =	ssub.s32 $0x2710, s3;
	p0 =	sgt.s32 s6, $0x7F;
	s5 =	smul.u32 $0x2710, s27  }
0x1b: {  	s14 =	rddreg [dreg:$0x8];
	s4 =	simm.s32 @p1 $0x0;
	s3 =	simm.s32 @p0 $0x0  }
0x1c: {  	s28 =	smul.u32 s4, s3;
	s1 =	ssub.s32 s1, s2;
	s0 =	ssub.s32 s0, s5  }
0x1d: {  	s29 =	sshrl.u32 s1, $0x3;
	s1 =	sand.u32 $0x7, s1;
	s0 =	smul.u32 $0x4F0, s0  }
0x1e: {  	s15 =	rddreg [dreg:$0x9];
	s3 =	sadd.s32 s30, s29;
	s1 =	sshll.u32 s1, $0x12  }
0x1f: {  	s2 =	sand.u32 $0x3FFFFFFF, s28;
	s1 =	sor.u32 $0x400, s1;
	s0 =	sadd.s32 s0, s3  }
0x20: {  	[hbm4b:s0+s1] =	stream.strided.scatter [tilespmem:s18], [sflag:$0x2], s2, s31, s1, $0x20;
	[tilespmem:$0x10100] =	vst v63  }
.LBB1_13:
0x21: {  	p0 =	slt.u32 s13, $0x2  }
0x22: {  	s1 =	smov.u32 s15;
	s2 =	smov.u32 s14;
	p1 =	sgt.s32 @!p0 s15, $0x2690  }
0x23: {  	s0 =	sshra.s32 @!p0 s15, $0x1F;
	p2 =	sgt.s32 @!p0 s14, $0x2700;
	s3 =	sshra.s32 @!p0 s14, $0x1F  }
0x24: {  	p1 =	por !p1, p0;
	s0 =	sand.u32 @!p0 s0, s15;
	p2 =	por !p2, p0  }
0x25: {  	s3 =	sand.u32 @!p0 s3, s14;
	s1 =	simm.s32 @p1 $0x2690;
	s2 =	simm.s32 @p2 $0x2700  }
0x26: {  	s0 =	ssub.s32 @!p0 s1, s0;
	s1 =	ssub.s32 @!p0 s2, s3  }
0x27: {  	s2 =	sadd.s32 @!p0 $0xFFFFD970, s0;
	s3 =	sadd.s32 @!p0 $0xFFFFD900, s1  }
0x28: {  	s0 =	ssub.s32 @!p0 $0x2710, s0;
	p1 =	sgt.s32 @!p0 s2, $0x7F;
	p2 =	sgt.s32 @!p0 s3, $0x7F  }
0x29: {  	s1 =	ssub.s32 @!p0 $0x2780, s1;
	p1 =	por !p1, p0;
	p2 =	por !p2, p0  }
0x2a: {  	s0 =	simm.s32 @!p1 $0x0;
	s1 =	simm.s32 @!p2 $0x0  }
0x2b: {  	s0 =	smul.u32 @!p0 s1, s0  }
0x2c: {  	s4 =	smov.u32 s12;
	s2 =	simm.s32 @!p0 $0x2;
	s1 =	sadd.s32 $0x80, s10  }
0x2d: {  	s3 =	sadd.s32 $0x1000, s12;
	p1 =	sgt.s32 s1, $0x270F;
	s0 =	sand.u32 @!p0 $0x3FFFFFFF, s0  }
0x2e: {  	s4 =	smov.u32 @p1 s3;
	_ =	swait.ge @!p0 [sflag:s2], s0  }
0x2f: {  	s1 =	simm.s32 @p1 $0x0;
	p1 =	sgt.s32 s4, $0x270F;
	s3 =	rddreg [dreg:$0x2]  }
0x30: {  	s4 =	smov.u32 @p1 s3;
	p1 =	sne.s32 s13, s8  }
.Ltmp1:
0x31: {  	_ = 	snop;
	(pc) =	sbr.rel @!p1 .LBB1_14-.Ltmp1, $4  }
0x32: {  	s15 =	smov.u32 s9  }
0x33: {  	s14 =	smov.u32 s11;
	s9 =	smov.u32 s10;
	s11 =	smov.u32 s12  }
0x34: {  	s0 =	ssub.s32 @!p0 $0x0, s0;
	s10 =	smov.u32 s1;
	[sflag:s2] =	ssyncset.done @!p0 $0x0  }
0x35: {  	s13 =	sadd.s32 $0x1, s13;
	[sflag:s2] =	ssyncadd.s32 @!p0 s0;
	s12 =	smov.u32 s4  }
.LBB1_1:
0x36: {  	s0 =	rddreg [dreg:$0x5]  }
0x37: {  	s3 =	smov.u32 s12;
	s5 =	smov.u32 s10;
	p0 =	sge.u32 s13, s0  }
0x38: {  	s0 =	sshrl.u32 @!p0 s12, $0x3;
	s1 =	sshll.u32 @!p0 s10, $0x3;
	s2 =	sshll.u32 @!p0 s12, $0x7  }
0x39: {  	p1 =	sgt.s32 @!p0 s12, $0x2690;
	s4 =	sshra.s32 @!p0 s12, $0x1F;
	s6 =	sshra.s32 @!p0 s10, $0x1F  }
0x3a: {  	s0 =	smul.u32 @!p0 $0x13C00, s0;
	s1 =	sand.u32 @!p0 $0xFFFFFC00, s1;
	p1 =	por !p1, p0  }
0x3b: {  	s4 =	sand.u32 @!p0 s4, s12;
	s6 =	sand.u32 @!p0 s6, s10;
	s3 =	simm.s32 @p1 $0x2690  }
0x3c: {  	p1 =	sgt.s32 @!p0 s10, $0x2700;
	s0 =	sadd.s32 @!p0 s0, s1;
	s1 =	sand.u32 @!p0 $0x380, s2  }
0x3d: {  	s2 =	sand.u32 @!p0 $0x7F, s10;
	p1 =	por !p1, p0;
	s0 =	sor.u32 @!p0 s1, s0  }
0x3e: {  	s3 =	ssub.s32 @!p0 s3, s4;
	s5 =	simm.s32 @p1 $0x2700;
	s1 =	sor.u32 @!p0 s2, s0  }
0x3f: {  	s0 =	smulhi.u32 @!p0 $0xCF6474A9, s0;
	s4 =	ssub.s32 @!p0 s5, s6;
	s6 =	sadd.s32 @!p0 $0xFFFFD970, s3  }
0x40: {  	s3 =	ssub.s32 @!p0 $0x2710, s3;
	s2 =	smulhi.u32 @!p0 $0xCF6474A9, s1;
	s7 =	sadd.s32 @!p0 $0xFFFFD900, s4  }
0x41: {  	p1 =	sgt.s32 @!p0 s6, $0x7F;
	s4 =	ssub.s32 @!p0 $0x2780, s4;
	s0 =	sshrl.u32 @!p0 s0, $0xD  }
0x42: {  	p2 =	sgt.s32 @!p0 s7, $0x7F;
	s2 =	sshrl.u32 @!p0 s2, $0xD;
	s5 =	smulhi.u32 @!p0 $0x68DB9, s0  }
0x43: {  	p1 =	por !p1, p0;
	p2 =	por !p2, p0;
	s2 =	smul.u32 @!p0 $0x2780, s2  }
0x44: {  	s3 =	simm.s32 @!p1 $0x0;
	s4 =	simm.s32 @!p2 $0x0  }
0x45: {  	s5 =	smul.u32 @!p0 $0x2710, s5;
	s1 =	ssub.s32 @!p0 s1, s2;
	s2 =	sxor.u32 @!p0 $0xFFFFFFFF, s13  }
0x46: {  	s3 =	smul.u32 @!p0 s3, s4;
	s2 =	sshll.u32 @!p0 s2, $0xE  }
0x47: {  	s0 =	ssub.s32 @!p0 s0, s5;
	s4 =	sshrl.u32 @!p0 s1, $0x3;
	s1 =	sand.u32 @!p0 $0x7, s1  }
0x48: {  	s3 =	sand.u32 @!p0 $0x3FFFFFFF, s3;
	s5 =	rddreg [dreg:$0x3];
	s0 =	smul.u32 @!p0 $0x4F0, s0  }
0x49: {  	s2 =	sand.u32 @!p0 $0x4000, s2;
	s4 =	sadd.s32 @!p0 s5, s4;
	s1 =	sshll.u32 @!p0 s1, $0x12  }
0x4a: {  	s1 =	sor.u32 @!p0 $0x400, s1;
	s0 =	sadd.s32 @!p0 s0, s4;
	s4 =	simm.s32 @!p0 $0x13C00  }
0x4b: {  	[tilespmem:s2], [sflag:$0x1] =	stream.strided.gather @!p0 [hbm4b:s0+s1], s3, s4, s1, $0x38;
	[tilespmem:$0x10100] =	vst v63  }
0x4c: {  	p0 =	seq.s32 s13, $0x0  }
0x4d: {  	p1 =	sge.u32 @!p0 s13, s8  }
0x4e: {  	p0 =	por p0, p1  }
.Ltmp2:
0x4f: {  	_ = 	snop;
	(pc) =	sbr.rel @p0 .LBB1_13-.Ltmp2, $1  }
0x50: {  	_ =	sdelay $0x3  }
0x51: {  	s0 =	ssub.s32 $0x0, s11;
	s1 =	sshra.s32 s11, $0x1F;
	p0 =	sgt.s32 s11, $0x2690  }
0x52: {  	s2 =	smov.u32 s11;
	s25 =	ssub.s32 $0x0, s9;
	s26 =	sshra.s32 s9, $0x1F  }
0x53: {  	s3 =	smov.u32 s9;
	s2 =	simm.s32 @!p0 $0x2690;
	p0 =	sgt.s32 s9, $0x2700  }
0x54: {  	s4 =	sand.u32 s0, s1;
	s1 =	sand.u32 s25, s26;
	s3 =	simm.s32 @!p0 $0x2700  }
0x55: {  	s2 =	sadd.s32 s4, s2;
	[dreg:$0xb] =	wrdreg s1;
	s1 =	sadd.s32 s1, s3  }
0x56: {  	s27 =	sadd.s32 $0xFFFFD970, s2;
	s2 =	ssub.s32 $0x2710, s2;
	s28 =	sadd.s32 $0xFFFFD900, s1  }
0x57: {  	p0 =	sgt.s32 s27, $0x7F;
	s0 =	ssub.s32 $0x2780, s1;
	p1 =	sgt.s32 s28, $0x7F  }
0x58: {  	s2 =	simm.s32 @p0 $0x0;
	s0 =	simm.s32 @p1 $0x0  }
0x59: {  	s29 =	smul.u32 s2, s0;
	s2 =	sadd.s32 $0x80, s11  }
0x5a: {  	p0 =	slt.s32 s2, $0x2710  }
0x5b: {  	s2 =	simm.s32 @!p0 $0x2710  }
0x5c: {  	[dreg:$0x9] =	wrdreg s15;
	s19 =	ssub.s32 s2, s11  }
0x5d: {  	[dreg:$0x8] =	wrdreg s14;
	p0 =	slt.s32 s19, $0x1  }
.Ltmp3:
0x5e: {  	[dreg:$0x7] =	wrdreg s9;
	s30 =	simm.s32 $0x1;
	(pc) =	sbr.rel @p0 .LBB1_12-.Ltmp3, $4  }
0x5f: {  	[dreg:$0xa] =	wrdreg s4;
	s0 =	sand.u32 $0x1, s13;
	s1 =	sand.u32 $0x3FFFFFFF, s29  }
0x60: {  	s31 =	smul.u32 $0x4080, s0;
	_ =	swait.ge [sflag:s30], s1  }
0x61: {  	s1 =	ssub.s32 $0x0, s1;
	[sflag:s30] =	ssyncset.done $0x0  }
0x62: {  	s18 =	sor.u32 $0x8000, s31;
	[sflag:s30] =	ssyncadd.s32 s1  }
0x63: {  	s2 =	rddreg [dreg:$0x7]  }
0x64: {  	s1 =	sadd.s32 $0x80, s2  }
0x65: {  	p0 =	slt.s32 s1, $0x2710  }
.Ltmp4:
0x66: {  	s1 =	simm.s32 @!p0 $0x2710;
	(pc) =	sbr.rel .LBB1_4-.Ltmp4, $4  }
0x67: {  	s22 =	sshll.u32 s0, $0xE;
	s1 =	ssub.s32 s1, s2  }
0x68: {  	s24 =	simm.s32 $0x0;
	s25 =	simm.s32 $0x400;
	s1 =	sadd.s32 $0xF, s1  }
0x69: {  	s20 =	sand.u32 $0xFFFFFFF0, s1;
	s21 =	sand.u32 $0xFFFFFF00, s1;
	s31 =	sshll.u32 s1, $0x3  }
0x6a: {  	p0 =	slt.s32 s1, $0x100;
	s23 =	sand.u32 $0xFFFFF800, s31;
	p1 =	sge.s32 s21, s20  }
.LBB1_11:
0x6b: {  	s24 =	sadd.s32 $0x1, s24  }
0x6c: {  	p2 =	sne.s32 s24, s19  }
.Ltmp5:
0x6d: {  	_ = 	snop;
	(pc) =	sbr.rel @!p2 .LBB1_12-.Ltmp5, $2  }
0x6e: {  	_ =	sdelay $0x2  }
0x6f: {  	s25 =	sadd.s32 $0x80, s25  }
.LBB1_4:
.Ltmp6:
0x70: {  	(pc) =	sbr.rel @p0 .LBB1_8-.Ltmp6, $2  }
0x71: {  	_ =	sdelay $0x2  }
0x72: {  	s26 =	sshll.u32 s24, $0x7;
	s27 =	sand.u32 $0x7F, s24  }
0x73: {  	s0 =	sshll.u32 s24, $0x3  }
0x74: {  	s5 =	sand.u32 $0x380, s26;
	s2 =	sshrl.u32 s0, $0x7  }
0x75: {  	s3 =	sadd.s32 $0x800, s0;
	s6 =	sadd.s32 $0x1000, s0;
	s17 =	sadd.s32 s5, s22  }
0x76: {  	s16 =	sadd.s32 $0x1800, s0;
	s7 =	sadd.s32 $0x2800, s0;
	s14 =	sadd.s32 $0x3000, s0  }
0x77: {  	s0 =	sadd.s32 $0x3800, s0;
	s1 =	sand.u32 $0x78, s2;
	s3 =	sshrl.u32 s3, $0x7  }
0x78: {  	s15 =	sshrl.u32 s6, $0x7;
	s6 =	sshrl.u32 s16, $0x7;
	s8 =	sshrl.u32 s7, $0x7  }
0x79: {  	s16 =	sshrl.u32 s0, $0x7;
	s4 =	smul.u32 $0x204, s1;
	s3 =	sand.u32 $0x78, s3  }
0x7a: {  	s7 =	sadd.s32 $0x20, s2;
	v0 =	vmov s17;
	s17 =	sand.u32 $0x3C00, s25;
	s3 =	smul.u32 $0x204, s3  }
0x7b: {  	s5 =	sand.u32 $0x78, s15;
	s1 =	sxor.u32 $0x40, s1;
	s15 =	sshrl.u32 s14, $0x7  }
0x7c: {  	s5 =	smul.u32 $0x204, s5;
	s4 =	sshrl.u32 s4, $0x2;
	s3 =	sshrl.u32 s3, $0x2  }
0x7d: {  	s1 =	smul.u32 $0x204, s1;
	s4 =	sadd.s32 s4, s18;
	s3 =	sadd.s32 s3, s18  }
0x7e: {  	s28 =	sadd.s32 s27, s4;
	s4 =	sand.u32 $0x78, s6;
	s6 =	sshrl.u32 s5, $0x2  }
0x7f: {  	s29 =	sadd.s32 s27, s3;
	s3 =	smul.u32 $0x204, s4;
	s4 =	sadd.s32 s6, s18  }
0x80: {  	s14 =	sand.u32 $0x78, s7;
	s30 =	sadd.s32 s27, s4;
	s4 =	sand.u32 $0x78, s8  }
0x81: {  	s7 =	sadd.s32 $0x30, s2;
	s1 =	sshrl.u32 s1, $0x2;
	s4 =	smul.u32 $0x204, s4  }
0x82: {  	s9 =	sadd.s32 s1, s18;
	s5 =	sand.u32 $0x78, s16;
	s3 =	sshrl.u32 s3, $0x2  }
0x83: {  	s31 =	sadd.s32 s27, s9;
	s3 =	sadd.s32 s3, s18;
	s4 =	sshrl.u32 s4, $0x2  }
0x84: {  	s1 =	sadd.s32 s27, s3;
	s3 =	sand.u32 $0x78, s15;
	s4 =	sadd.s32 s4, s18  }
0x85: {  	s6 =	sadd.s32 $0x10, s2;
	s3 =	smul.u32 $0x204, s3;
	s0 =	sadd.s32 s27, s4  }
0x86: {  	s4 =	smul.u32 $0x204, s5;
	s5 =	sand.u32 $0x78, s6;
	s6 =	sand.u32 $0x78, s7  }
0x87: {  	s7 =	sadd.s32 $0x50, s2;
	s3 =	sshrl.u32 s3, $0x2;
	s5 =	smul.u32 $0x204, s5  }
0x88: {  	s6 =	smul.u32 $0x204, s6;
	s7 =	sand.u32 $0x78, s7;
	s3 =	sadd.s32 s3, s18  }
0x89: {  	s9 =	sshrl.u32 s4, $0x2;
	s4 =	smul.u32 $0x204, s14;
	s14 =	sadd.s32 $0x60, s2  }
0x8a: {  	s7 =	smul.u32 $0x204, s7;
	s2 =	sadd.s32 $0x70, s2;
	s8 =	sadd.s32 s27, s3  }
0x8b: {  	s3 =	sadd.s32 s9, s18;
	s15 =	sshrl.u32 s5, $0x2;
	s14 =	sand.u32 $0x78, s14  }
0x8c: {  	s6 =	sshrl.u32 s6, $0x2;
	s2 =	sand.u32 $0x78, s2;
	s5 =	sadd.s32 s27, s3  }
0x8d: {  	v1 =	vld.idx.msk [tilespmem:v0+s17+$0x0 ss:$0x1], $0xffff;
	s16 =	sadd.s32 s15, s18;
	s4 =	sshrl.u32 s4, $0x2;
	s14 =	smul.u32 $0x204, s14  }
0x8e: {  	s2 =	smul.u32 $0x204, s2;
	s7 =	sshrl.u32 s7, $0x2;
	s4 =	sadd.s32 s4, s18  }
0x8f: {  	s15 =	sadd.s32 s6, s18;
	s7 =	sadd.s32 s7, s18;
	s3 =	sadd.s32 s27, s4  }
0x90: {  	s4 =	sadd.s32 s27, s15;
	s14 =	sshrl.u32 s14, $0x2;
	s2 =	sshrl.u32 s2, $0x2  }
0x91: {  	s15 =	sadd.s32 $0xFFFFFC00, s25;
	s14 =	sadd.s32 s14, s18;
	s9 =	sadd.s32 s2, s18  }
0x92: {  	[tilespmem:s28+$0x0 ss:$0x81] =	vst.msk $0xffff, v1;
	v1 =	vld.idx.msk [tilespmem:v0+s17+$0x20 ss:$0x1], $0xffff;
	s2 =	sadd.s32 s27, s7;
	s7 =	sadd.s32 s27, s14;
	s14 =	sand.u32 $0x3C00, s15  }
0x93: {  	v2 =	vld.idx.msk [tilespmem:v0+s14+$0x70 ss:$0x1], $0xffff  }
0x94: {  	v3 =	vld.idx.msk [tilespmem:v0+s14+$0x0 ss:$0x1], $0xffff  }
0x95: {  	v4 =	vld.idx.msk [tilespmem:v0+s14+$0x10 ss:$0x1], $0xffff  }
0x96: {  	v5 =	vld.idx.msk [tilespmem:v0+s14+$0x20 ss:$0x1], $0xffff  }
0x97: {  	v6 =	vld.idx.msk [tilespmem:v0+s14+$0x30 ss:$0x1], $0xffff  }
0x98: {  	v7 =	vld.idx.msk [tilespmem:v0+s14+$0x40 ss:$0x1], $0xffff;
	[tilespmem:s5+$0x0 ss:$0x81] =	vst.msk $0xffff, v2  }
0x99: {  	v8 =	vld.idx.msk [tilespmem:v0+s14+$0x50 ss:$0x1], $0xffff;
	[tilespmem:s28+$0x0 ss:$0x81] =	vst.msk $0xffff, v3  }
0x9a: {  	p2 =	sgt.s32 s21, $0x100;
	v9 =	vld.idx.msk [tilespmem:v0+s14+$0x60 ss:$0x1], $0xffff;
	[tilespmem:s29+$0x0 ss:$0x81] =	vst.msk $0xffff, v4  }
.Ltmp7:
0x9b: {  	v4 =	vld.idx.msk [tilespmem:v0+s17+$0x10 ss:$0x1], $0xffff;
	[tilespmem:s30+$0x0 ss:$0x81] =	vst.msk $0xffff, v5;
	(pc) =	sbr.rel @!p2 .LBB1_7-.Ltmp7, $4  }
0x9c: {  	[tilespmem:s1+$0x0 ss:$0x81] =	vst.msk $0xffff, v6;
	v2 =	vld.idx.msk [tilespmem:v0+s17+$0x30 ss:$0x1], $0xffff  }
0x9d: {  	[tilespmem:s31+$0x0 ss:$0x81] =	vst.msk $0xffff, v7;
	v3 =	vld.idx.msk [tilespmem:v0+s17+$0x40 ss:$0x1], $0xffff  }
0x9e: {  	s6 =	sadd.s32 s27, s16;
	[tilespmem:s0+$0x0 ss:$0x81] =	vst.msk $0xffff, v8;
	v5 =	vld.idx.msk [tilespmem:v0+s17+$0x50 ss:$0x1], $0xffff  }
0x9f: {  	s16 =	sadd.s32 s27, s9;
	s15 =	sadd.s32 $0x800, s25;
	s14 =	simm.s32 $0x100;
	[tilespmem:s8+$0x0 ss:$0x81] =	vst.msk $0xffff, v9;
	v6 =	vld.idx.msk [tilespmem:v0+s17+$0x60 ss:$0x1], $0xffff  }
.LBB1_6:
0xa0: {  	s9 =	sadd.s32 $0xFFFFFC00, s15;
	s14 =	sadd.s32 $0x100, s14;
	[tilespmem:s6+$0x0 ss:$0x81] =	vst.msk $0xffff, v4;
	v4 =	vld.idx.msk [tilespmem:v0+s17+$0x70 ss:$0x1], $0xffff;
	s17 =	sand.u32 $0x3C00, s15  }
0xa1: {  	s9 =	sand.u32 $0x3C00, s9;
	v7 =	vld.idx.msk [tilespmem:v0+s17+$0x0 ss:$0x1], $0xffff;
	p2 =	slt.s32 s14, s21;
	[tilespmem:s3+$0x0 ss:$0x81] =	vst.msk $0xffff, v1  }
0xa2: {  	v1 =	vld.idx.msk [tilespmem:v0+s9+$0x70 ss:$0x1], $0xffff;
	[tilespmem:s4+$0x0 ss:$0x81] =	vst.msk $0xffff, v2  }
0xa3: {  	v2 =	vld.idx.msk [tilespmem:v0+s9+$0x0 ss:$0x1], $0xffff;
	[tilespmem:s31+$0x0 ss:$0x81] =	vst.msk $0xffff, v3  }
0xa4: {  	v3 =	vld.idx.msk [tilespmem:v0+s9+$0x10 ss:$0x1], $0xffff;
	[tilespmem:s2+$0x0 ss:$0x81] =	vst.msk $0xffff, v5  }
0xa5: {  	v5 =	vld.idx.msk [tilespmem:v0+s9+$0x20 ss:$0x1], $0xffff;
	[tilespmem:s7+$0x0 ss:$0x81] =	vst.msk $0xffff, v6  }
0xa6: {  	v6 =	vld.idx.msk [tilespmem:v0+s9+$0x30 ss:$0x1], $0xffff;
	[tilespmem:s16+$0x0 ss:$0x81] =	vst.msk $0xffff, v4  }
0xa7: {  	v8 =	vld.idx.msk [tilespmem:v0+s9+$0x40 ss:$0x1], $0xffff;
	[tilespmem:s28+$0x0 ss:$0x81] =	vst.msk $0xffff, v7  }
0xa8: {  	v7 =	vld.idx.msk [tilespmem:v0+s9+$0x50 ss:$0x1], $0xffff;
	[tilespmem:s5+$0x0 ss:$0x81] =	vst.msk $0xffff, v1  }
0xa9: {  	[tilespmem:s28+$0x0 ss:$0x81] =	vst.msk $0xffff, v2;
	v9 =	vld.idx.msk [tilespmem:v0+s9+$0x60 ss:$0x1], $0xffff  }
0xaa: {  	[tilespmem:s29+$0x0 ss:$0x81] =	vst.msk $0xffff, v3;
	v4 =	vld.idx.msk [tilespmem:v0+s17+$0x10 ss:$0x1], $0xffff  }
.Ltmp8:
0xab: {  	[tilespmem:s30+$0x0 ss:$0x81] =	vst.msk $0xffff, v5;
	v1 =	vld.idx.msk [tilespmem:v0+s17+$0x20 ss:$0x1], $0xffff;
	(pc) =	sbr.rel @p2 .LBB1_6-.Ltmp8, $4  }
0xac: {  	[tilespmem:s1+$0x0 ss:$0x81] =	vst.msk $0xffff, v6;
	v2 =	vld.idx.msk [tilespmem:v0+s17+$0x30 ss:$0x1], $0xffff  }
0xad: {  	[tilespmem:s31+$0x0 ss:$0x81] =	vst.msk $0xffff, v8;
	v3 =	vld.idx.msk [tilespmem:v0+s17+$0x40 ss:$0x1], $0xffff  }
0xae: {  	[tilespmem:s0+$0x0 ss:$0x81] =	vst.msk $0xffff, v7;
	v5 =	vld.idx.msk [tilespmem:v0+s17+$0x50 ss:$0x1], $0xffff  }
0xaf: {  	s15 =	sadd.s32 $0x800, s15;
	[tilespmem:s8+$0x0 ss:$0x81] =	vst.msk $0xffff, v9;
	v6 =	vld.idx.msk [tilespmem:v0+s17+$0x60 ss:$0x1], $0xffff  }
.LBB1_7:
0xb0: {  	_ =	sdelay $0x2  }
0xb1: {  	[tilespmem:s6+$0x0 ss:$0x81] =	vst.msk $0xffff, v4  }
0xb2: {  	v0 =	vld.idx.msk [tilespmem:v0+s17+$0x70 ss:$0x1], $0xffff;
	[tilespmem:s3+$0x0 ss:$0x81] =	vst.msk $0xffff, v1  }
0xb3: {  	[tilespmem:s4+$0x0 ss:$0x81] =	vst.msk $0xffff, v2  }
0xb4: {  	[tilespmem:s31+$0x0 ss:$0x81] =	vst.msk $0xffff, v3  }
0xb5: {  	[tilespmem:s2+$0x0 ss:$0x81] =	vst.msk $0xffff, v5  }
0xb6: {  	[tilespmem:s7+$0x0 ss:$0x81] =	vst.msk $0xffff, v6  }
0xb7: {  	[tilespmem:s16+$0x0 ss:$0x81] =	vst.msk $0xffff, v0  }
.LBB1_8:
.Ltmp9:
0xb8: {  	(pc) =	sbr.rel @p1 .LBB1_11-.Ltmp9, $1  }
0xb9: {  	_ =	sdelay $0x3  }
0xba: {  	s1 =	sand.u32 $0x380, s26;
	s0 =	sshrl.u32 s24, $0x4;
	s2 =	sadd.s32 s27, s18  }
0xbb: {  	s3 =	smov.u32 s23;
	s4 =	smov.u32 s21;
	s1 =	sadd.s32 s1, s22  }
.LBB1_10:
0xbc: {  	s5 =	sand.u32 $0x3C00, s3  }
0xbd: {  	s5 =	sadd.s32 s26, s5  }
0xbe: {  	s5 =	sand.u32 $0x3C00, s5  }
0xbf: {  	s6 =	sand.u32 $0x70, s4;
	s30 =	sadd.s32 s4, s0;
	s5 =	sadd.s32 s5, s1  }
0xc0: {  	s4 =	sadd.s32 $0x10, s4;
	s31 =	sand.u32 $0x78, s30;
	s5 =	sadd.s32 s6, s5  }
0xc1: {  	p2 =	slt.s32 s4, s20;
	v0 =	vld [tilespmem:s5+$0x0];
	s5 =	smul.u32 $0x204, s31  }
.Ltmp10:
0xc2: {  	_ = 	snop;
	(pc) =	sbr.rel @p2 .LBB1_10-.Ltmp10, $4  }
0xc3: {  	_ = 	snop  }
0xc4: {  	s5 =	sshrl.u32 s5, $0x2  }
0xc5: {  	s5 =	sadd.s32 s5, s2  }
0xc6: {  	s3 =	sadd.s32 $0x80, s3;
	[tilespmem:s5+$0x0 ss:$0x81] =	vst.msk $0xffff, v0  }
.Ltmp11:
0xc7: {  	_ = 	snop;
	(pc) =	sbr.rel .LBB1_11-.Ltmp11, $1  }
0xc8: {  	_ =	sdelay $0x3  }
.LBB1_14:
0xc9: {  	_ =	sfence.sel $0x180000  }
0xca: {  	s0 =	simm.s32 $0x1;
	[bflag:$0x0] =	sbarrier.arrive $0xFFFF  }
0xcb: {  	s30 =	simm.s32 $0x2;
	[sflag:s0] =	ssyncpa.u1 $0x1  }
0xcc: {  	[sflag:s30] =	ssyncpa.u1 $0x1  }
0xcd: {  	_ =	strace $0x9000004A  }
0xce: {  	s31 =	stileid.u32;
	[bflag:$0x2] =	sbarrier.arrive $0xFFFF  }
0xcf: {  	p0 =	sne.s32 s31, $0x0;
	s0 =	rddreg [dreg:$0x1]  }
0xd0: {  	s0 =	sadd.s32 @!p0 $0x100000, s0  }
0xd1: {  	[sflag:s0] =	ssyncadd.tile.s32 @!p0 $0x1;
	_ =	shalt  }
.Lfunc_end1:
_tile_overlayer_lowered:
.L_overlay_start_2:
0xd2: {  	(tag) =	ssettag $0x2  }
0xd3: {  	s0 =	rddreg [dreg:$0x0];
	s2 =	stileid.u32  }
0xd4: {  	s1 =	rddreg [dreg:$0x1];
	p0 =	sne.s32 s2, $0x0  }
0xd5: {  	s3 =	rddreg [dreg:$0x2];
	[bflag:$0x3] =	sbarrier.arrive $0xFFFF;
	s2 =	simm.s32 @!p0 $0x1C01  }
0xd6: {  	[timem:s3], [sflag:s2] =	dma.local @!p0 [hbm:s0], s1  }
0xd7: {  	s0 =	simm.s32 @!p0 $0x1  }
0xd8: {  	_ =	swait.ge @!p0 [sflag:s0], s1  }
0xd9: {  	s1 =	ssub.s32 @!p0 $0x0, s1;
	[sflag:s0] =	ssyncset.done @!p0 $0x0  }
0xda: {  	[sflag:s0] =	ssyncadd.s32 @!p0 s1  }
0xdb: {  	[bflag:$0x3] =	sbarrier.arrive $0xFFFF  }
0xdc: {  	_ =	shalt  }

</sc_bundles>
